<compile_context>
chip_gen: v7x
topology: tpu7x:2x2x1
jax: 0.10.2.dev20260603
libtpu: 0.0.44.dev20260713+nightly
codegen_flags: <defaults>
</compile_context>

<pallas_src>
import functools

import jax
import jax.numpy as jnp
from jax import lax
from jax.experimental import pallas as pl
from jax.experimental.pallas import tpu as pltpu
from jax.experimental.pallas import tpu_sc as plsc

N = 10000
E = 320000
D = 128

NC = 2
NS = 16
NW = NC * NS

CHUNK = 368
EW = E // NW
NCHUNK = EW // CHUNK
TAIL = EW - NCHUNK * CHUNK
N_ACC = 10240
ZROWS = 320
RW = N_ACC // NS


def _segsum_kernel(x_hbm, src_hbm, dst_hbm, out_hbm,
                   src_v, dst_v, src_t, dst_t, rows_v, acc_sh, sem):
    cid = lax.axis_index("c")
    sid = lax.axis_index("s")
    wid = sid * NC + cid

    zvec = jnp.zeros((16,), jnp.float32)

    def zbody(r, carry):
        for j in range(D // 16):
            rows_v[r, pl.ds(j * 16, 16)] = zvec
        return carry

    lax.fori_loop(0, ZROWS, zbody, 0)
    zper = N_ACC // NS
    for z in range(zper // ZROWS):
        pltpu.sync_copy(rows_v.at[pl.ds(0, ZROWS)],
                        acc_sh.at[pl.ds(sid * zper + z * ZROWS, ZROWS)])
    plsc.subcore_barrier()

    base = wid * EW

    def body(i, carry):
        off = base + i * CHUNK
        pltpu.sync_copy(src_hbm.at[pl.ds(off, CHUNK)], src_v)
        pltpu.sync_copy(dst_hbm.at[pl.ds(off, CHUNK)], dst_v)
        pltpu.async_copy(x_hbm.at[src_v], rows_v, sem).wait()
        pltpu.sync_copy(rows_v, acc_sh.at[dst_v], add=True)
        return carry

    lax.fori_loop(0, NCHUNK, body, 0)

    toff = base + NCHUNK * CHUNK
    pltpu.sync_copy(src_hbm.at[pl.ds(toff, TAIL)], src_t)
    pltpu.sync_copy(dst_hbm.at[pl.ds(toff, TAIL)], dst_t)
    pltpu.async_copy(x_hbm.at[src_t], rows_v.at[pl.ds(0, TAIL)], sem).wait()
    pltpu.sync_copy(rows_v.at[pl.ds(0, TAIL)], acc_sh.at[dst_t], add=True)
    plsc.subcore_barrier()

    pltpu.sync_copy(acc_sh.at[pl.ds(sid * RW, RW)],
                    out_hbm.at[cid, pl.ds(sid * RW, RW)])


_segsum = functools.partial(
    pl.kernel,
    out_type=jax.ShapeDtypeStruct((NC, N_ACC, D), jnp.float32),
    mesh=plsc.VectorSubcoreMesh(core_axis_name="c", subcore_axis_name="s"),
    scratch_types=[
        pltpu.VMEM((CHUNK,), jnp.int32),
        pltpu.VMEM((CHUNK,), jnp.int32),
        pltpu.VMEM((TAIL,), jnp.int32),
        pltpu.VMEM((TAIL,), jnp.int32),
        pltpu.VMEM((CHUNK, D), jnp.float32),
        pltpu.VMEM_SHARED((N_ACC, D), jnp.float32),
        pltpu.SemaphoreType.DMA,
    ],
)(_segsum_kernel)


BM = 2048


def _gc_body(p_ref, w1_ref, b1_ref, w2_ref, o_ref):
    s = p_ref[0] + p_ref[1]
    h = jnp.dot(s, w1_ref[...], preferred_element_type=jnp.float32) + b1_ref[...]
    h = jnp.maximum(h, 0.0)
    o_ref[...] = jnp.dot(h, w2_ref[...], preferred_element_type=jnp.float32)


def _fin_body(p_ref, b2_ref, w3_ref, b3_ref, o_ref):
    h = jnp.maximum(p_ref[0] + p_ref[1] + b2_ref[...], 0.0)
    r = jnp.dot(h, w3_ref[...], preferred_element_type=jnp.float32)
    o_ref[...] = r[:, :1] + b3_ref[...]


def kernel(x, adj, W1, b1, W2, b2, W3, b3):
    src = adj[0]
    dst = adj[1]
    parts1 = _segsum(x, src, dst)

    support2 = pl.pallas_call(
        _gc_body,
        grid=(pl.cdiv(N, BM),),
        in_specs=[
            pl.BlockSpec((NC, BM, D), lambda i: (0, i, 0)),
            pl.BlockSpec((D, 2 * D), lambda i: (0, 0)),
            pl.BlockSpec((1, 2 * D), lambda i: (0, 0)),
            pl.BlockSpec((2 * D, D), lambda i: (0, 0)),
        ],
        out_specs=pl.BlockSpec((BM, D), lambda i: (i, 0)),
        out_shape=jax.ShapeDtypeStruct((N, D), jnp.float32),
    )(parts1, W1, b1.reshape(1, -1), W2)

    parts2 = _segsum(support2, src, dst)

    out = pl.pallas_call(
        _fin_body,
        grid=(pl.cdiv(N, BM),),
        in_specs=[
            pl.BlockSpec((NC, BM, D), lambda i: (0, i, 0)),
            pl.BlockSpec((1, D), lambda i: (0, 0)),
            pl.BlockSpec((D, D), lambda i: (0, 0)),
            pl.BlockSpec((1, 1), lambda i: (0, 0)),
        ],
        out_specs=pl.BlockSpec((BM, 1), lambda i: (i, 0)),
        out_shape=jax.ShapeDtypeStruct((N, 1), jnp.float32),
    )(parts2, b2.reshape(1, -1), jnp.pad(W3, ((0, 0), (0, D - 1))),
      b3.reshape(1, 1))

    return out

# --- scband reference (transcript-rebuilt; emitter-appended) ---
"""Pipeline reference for scband-gpn-valuator-simple-52673478918725 (READ-ONLY COPY).

The authoritative reference and input builder live on the scoring server;
editing this copy changes nothing except your own understanding.
"""

import jax, jax.numpy as jnp
import numpy as np

N = 10000
E = 320000
NFEAT = 128
NHID = 128


def setup_inputs(seed: int = 0) -> dict:
    key = jax.random.key(seed)
    ks = jax.random.split(key, 9)
    x = jax.random.normal(ks[0], (N, NFEAT), dtype=jnp.float32)
    adj = jax.random.randint(ks[1], (2, E), 0, N, dtype=jnp.int32)
    # GraphConvolution gc1: nfeat -> 2*nhid
    s1 = 1.0 / np.sqrt(NFEAT)
    W1 = jax.random.uniform(ks[2], (NFEAT, 2 * NHID), dtype=jnp.float32, minval=-s1, maxval=s1)
    b1 = jax.random.uniform(ks[3], (2 * NHID,), dtype=jnp.float32, minval=-s1, maxval=s1)
    # GraphConvolution gc2: 2*nhid -> nhid
    s2 = 1.0 / np.sqrt(2 * NHID)
    W2 = jax.random.uniform(ks[4], (2 * NHID, NHID), dtype=jnp.float32, minval=-s2, maxval=s2)
    b2 = jax.random.uniform(ks[5], (NHID,), dtype=jnp.float32, minval=-s2, maxval=s2)
    # fc3: nhid -> 1
    s3 = 1.0 / np.sqrt(NHID)
    W3 = jax.random.uniform(ks[6], (NHID, 1), dtype=jnp.float32, minval=-s3, maxval=s3)
    b3 = jax.random.uniform(ks[7], (1,), dtype=jnp.float32, minval=-s3, maxval=s3)
    return {"x": x, "adj": adj, "W1": W1, "b1": b1, "W2": W2, "b2": b2, "W3": W3, "b3": b3}


def reference(x, adj, W1, b1, W2, b2, W3, b3):
    # adj is sparse adjacency given as edge_index [2, E]; spmm(adj, support) is
    # a gather of source rows followed by scatter-add (segment_sum) into dst rows.
    src = adj[0]
    dst = adj[1]
    # gc1: support = x @ W1; out = spmm(adj, support) + b1; relu
    support1 = x @ W1
    agg1 = jax.ops.segment_sum(support1[src], dst, num_segments=N)
    h1 = jax.nn.relu(agg1 + b1)
    # dropout: identity in eval mode (training=False)
    # gc2
    support2 = h1 @ W2
    agg2 = jax.ops.segment_sum(support2[src], dst, num_segments=N)
    h2 = jax.nn.relu(agg2 + b2)
    # fc3
    out = h2 @ W3 + b3
    return out

if __name__ == "__main__":
    import jax
    _d = setup_inputs()
    print(jax.jit(kernel)(*tuple(_d.values())))

</pallas_src>

<mosaic_0001>
#map = affine_map<(d0, d1) -> (0, 0)>
#map1 = affine_map<(d0, d1) -> (0)>
#map2 = affine_map<(d0, d1) -> (0, 0, 0)>
module attributes {stable_mosaic.version = 14 : i64} {
  func.func @_segsum_kernel(%arg0: i32, %arg1: i32, %arg2: memref<10000x128xf32, #tpu.memory_space<hbm>>, %arg3: memref<320000xi32, #tpu.memory_space<hbm>>, %arg4: memref<320000xi32, #tpu.memory_space<hbm>>, %arg5: memref<2x10240x128xf32, #tpu.memory_space<hbm>>, %arg6: memref<368xi32, #tpu.memory_space<vmem>>, %arg7: memref<368xi32, #tpu.memory_space<vmem>>, %arg8: memref<64xi32, #tpu.memory_space<vmem>>, %arg9: memref<64xi32, #tpu.memory_space<vmem>>, %arg10: memref<368x128xf32, #tpu.memory_space<vmem>>, %arg11: memref<10240x128xf32, #tpu.memory_space<vmem_shared>>, %arg12: memref<!tpu.dma_semaphore, #tpu.memory_space<semaphore_mem>>) attributes {dimension_semantics = [#tpu.dimension_semantics<core_parallel>, #tpu.dimension_semantics<subcore_parallel>], iteration_bounds = array<i64: 2, 16>, scalar_prefetch = 0 : i64, scratch_operands = 7 : i64, tpu.core_type = #tpu.core_type<sc_vector_subcore>, window_params = [{transform_indices = #map}, {transform_indices = #map1}, {transform_indices = #map1}, {transform_indices = #map2}]} {
    %mul3A = arith.constant 2 : i32
    %mul3A_0 = arith.muli %arg1, %mul3A : i32
    %add3A = arith.addi %mul3A_0, %arg0 : i32
    %broadcast_in_dim3A = arith.constant 0.000000e+00 : f32
    %broadcast_in_dim3A_1 = vector.broadcast %broadcast_in_dim3A : f32 to vector<16xf32>
    %scan3A = arith.constant 0 : i32
    %scan3A_2 = arith.constant 0 : i32
    %scan3A_3 = arith.constant 320 : i32
    %scan3A_4 = arith.addi %scan3A_2, %scan3A_3 : i32
    %scan3A_5 = arith.constant 1 : i32
    scf.for %scan3A_40 = %scan3A_2 to %scan3A_4 step %scan3A_5  : i32 {
      %swap3A = arith.index_cast %scan3A_40 : i32 to index
      %swap3A_41 = arith.constant 0 : index
      %swap3A_42 = tpu.vector_load %arg10[%swap3A, %swap3A_41] {strides = array<i32>} : memref<368x128xf32, #tpu.memory_space<vmem>>, vector<1x16xf32>,
      %swap3A_43 = vector.shape_cast %swap3A_42 : vector<1x16xf32> to vector<16xf32>
      %swap3A_44 = vector.shape_cast %broadcast_in_dim3A_1 : vector<16xf32> to vector<1x16xf32>
      tpu.vector_store %arg10[%swap3A, %swap3A_41], %swap3A_44 {strides = array<i32>} : memref<368x128xf32, #tpu.memory_space<vmem>>, vector<1x16xf32>,
      %swap3A_45 = arith.index_cast %scan3A_40 : i32 to index
      %swap3A_46 = arith.constant 16 : index
      %swap3A_47 = tpu.vector_load %arg10[%swap3A_45, %swap3A_46] {strides = array<i32>} : memref<368x128xf32, #tpu.memory_space<vmem>>, vector<1x16xf32>,
      %swap3A_48 = vector.shape_cast %swap3A_47 : vector<1x16xf32> to vector<16xf32>
      %swap3A_49 = vector.shape_cast %broadcast_in_dim3A_1 : vector<16xf32> to vector<1x16xf32>
      tpu.vector_store %arg10[%swap3A_45, %swap3A_46], %swap3A_49 {strides = array<i32>} : memref<368x128xf32, #tpu.memory_space<vmem>>, vector<1x16xf32>,
      %swap3A_50 = arith.index_cast %scan3A_40 : i32 to index
      %swap3A_51 = arith.constant 32 : index
      %swap3A_52 = tpu.vector_load %arg10[%swap3A_50, %swap3A_51] {strides = array<i32>} : memref<368x128xf32, #tpu.memory_space<vmem>>, vector<1x16xf32>,
      %swap3A_53 = vector.shape_cast %swap3A_52 : vector<1x16xf32> to vector<16xf32>
      %swap3A_54 = vector.shape_cast %broadcast_in_dim3A_1 : vector<16xf32> to vector<1x16xf32>
      tpu.vector_store %arg10[%swap3A_50, %swap3A_51], %swap3A_54 {strides = array<i32>} : memref<368x128xf32, #tpu.memory_space<vmem>>, vector<1x16xf32>,
      %swap3A_55 = arith.index_cast %scan3A_40 : i32 to index
      %swap3A_56 = arith.constant 48 : index
      %swap3A_57 = tpu.vector_load %arg10[%swap3A_55, %swap3A_56] {strides = array<i32>} : memref<368x128xf32, #tpu.memory_space<vmem>>, vector<1x16xf32>,
      %swap3A_58 = vector.shape_cast %swap3A_57 : vector<1x16xf32> to vector<16xf32>
      %swap3A_59 = vector.shape_cast %broadcast_in_dim3A_1 : vector<16xf32> to vector<1x16xf32>
      tpu.vector_store %arg10[%swap3A_55, %swap3A_56], %swap3A_59 {strides = array<i32>} : memref<368x128xf32, #tpu.memory_space<vmem>>, vector<1x16xf32>,
      %swap3A_60 = arith.index_cast %scan3A_40 : i32 to index
      %swap3A_61 = arith.constant 64 : index
      %swap3A_62 = tpu.vector_load %arg10[%swap3A_60, %swap3A_61] {strides = array<i32>} : memref<368x128xf32, #tpu.memory_space<vmem>>, vector<1x16xf32>,
      %swap3A_63 = vector.shape_cast %swap3A_62 : vector<1x16xf32> to vector<16xf32>
      %swap3A_64 = vector.shape_cast %broadcast_in_dim3A_1 : vector<16xf32> to vector<1x16xf32>
      tpu.vector_store %arg10[%swap3A_60, %swap3A_61], %swap3A_64 {strides = array<i32>} : memref<368x128xf32, #tpu.memory_space<vmem>>, vector<1x16xf32>,
      %swap3A_65 = arith.index_cast %scan3A_40 : i32 to index
      %swap3A_66 = arith.constant 80 : index
      %swap3A_67 = tpu.vector_load %arg10[%swap3A_65, %swap3A_66] {strides = array<i32>} : memref<368x128xf32, #tpu.memory_space<vmem>>, vector<1x16xf32>,
      %swap3A_68 = vector.shape_cast %swap3A_67 : vector<1x16xf32> to vector<16xf32>
      %swap3A_69 = vector.shape_cast %broadcast_in_dim3A_1 : vector<16xf32> to vector<1x16xf32>
      tpu.vector_store %arg10[%swap3A_65, %swap3A_66], %swap3A_69 {strides = array<i32>} : memref<368x128xf32, #tpu.memory_space<vmem>>, vector<1x16xf32>,
      %swap3A_70 = arith.index_cast %scan3A_40 : i32 to index
      %swap3A_71 = arith.constant 96 : index
      %swap3A_72 = tpu.vector_load %arg10[%swap3A_70, %swap3A_71] {strides = array<i32>} : memref<368x128xf32, #tpu.memory_space<vmem>>, vector<1x16xf32>,
      %swap3A_73 = vector.shape_cast %swap3A_72 : vector<1x16xf32> to vector<16xf32>
      %swap3A_74 = vector.shape_cast %broadcast_in_dim3A_1 : vector<16xf32> to vector<1x16xf32>
      tpu.vector_store %arg10[%swap3A_70, %swap3A_71], %swap3A_74 {strides = array<i32>} : memref<368x128xf32, #tpu.memory_space<vmem>>, vector<1x16xf32>,
      %swap3A_75 = arith.index_cast %scan3A_40 : i32 to index
      %swap3A_76 = arith.constant 112 : index
      %swap3A_77 = tpu.vector_load %arg10[%swap3A_75, %swap3A_76] {strides = array<i32>} : memref<368x128xf32, #tpu.memory_space<vmem>>, vector<1x16xf32>,
      %swap3A_78 = vector.shape_cast %swap3A_77 : vector<1x16xf32> to vector<16xf32>
      %swap3A_79 = vector.shape_cast %broadcast_in_dim3A_1 : vector<16xf32> to vector<1x16xf32>
      tpu.vector_store %arg10[%swap3A_75, %swap3A_76], %swap3A_79 {strides = array<i32>} : memref<368x128xf32, #tpu.memory_space<vmem>>, vector<1x16xf32>,
    }
    %scan3A_6 = arith.constant 320 : i32
    %mul3A_7 = arith.constant 640 : i32
    %mul3A_8 = arith.muli %arg1, %mul3A_7 : i32
    %add3A_9 = arith.constant 0 : i32
    %add3A_10 = arith.addi %mul3A_8, %add3A_9 : i32
    "tpu.region"() ({
      %run_scoped3A = tpu.sem_alloc : memref<!tpu.dma_semaphore, #tpu.memory_space<semaphore_mem>>
      %dma_start3A_40 = arith.constant 0 : i32
      %dma_start3A_41 = arith.constant 0 : i32
      %dma_start3A_42 = tpu.memref_slice %arg10[%dma_start3A_40, %dma_start3A_41] : memref<368x128xf32, #tpu.memory_space<vmem>> -> memref<320x128xf32, #tpu.memory_space<vmem>>
      %dma_start3A_43 = arith.constant 0 : i32
      %dma_start3A_44 = tpu.memref_slice %arg11[%add3A_10, %dma_start3A_43] : memref<10240x128xf32, #tpu.memory_space<vmem_shared>> -> memref<320x128xf32, #tpu.memory_space<vmem_shared>>
      %dma_start3A_45 = arith.constant 0 : i32
      %dma_start3A_46 = tpu.memref_slice %arg11[%add3A_10, %dma_start3A_45] : memref<10240x128xf32, #tpu.memory_space<vmem_shared>> -> memref<320x128xf32, #tpu.memory_space<vmem_shared>>
      %dma_start3A_47 = arith.constant 0 : i32
      %dma_start3A_48 = arith.constant 0 : i32
      %dma_start3A_49 = tpu.memref_slice %arg10[%dma_start3A_47, %dma_start3A_48] : memref<368x128xf32, #tpu.memory_space<vmem>> -> memref<320x128xf32, #tpu.memory_space<vmem>>
      tpu.enqueue_dma source(%dma_start3A_49 : memref<320x128xf32, #tpu.memory_space<vmem>>) target(%dma_start3A_46 : memref<320x128xf32, #tpu.memory_space<vmem_shared>>) target_semaphore(%run_scoped3A : memref<!tpu.dma_semaphore, #tpu.memory_space<semaphore_mem>>)
      %dma_wait3A_50 = arith.constant 0 : i32
      %dma_wait3A_51 = arith.constant 0 : i32
      %dma_wait3A_52 = tpu.memref_slice %arg10[%dma_wait3A_50, %dma_wait3A_51] : memref<368x128xf32, #tpu.memory_space<vmem>> -> memref<320x128xf32, #tpu.memory_space<vmem>>
      %dma_wait3A_53 = arith.constant 0 : i32
      %dma_wait3A_54 = tpu.memref_slice %arg11[%add3A_10, %dma_wait3A_53] : memref<10240x128xf32, #tpu.memory_space<vmem_shared>> -> memref<320x128xf32, #tpu.memory_space<vmem_shared>>
      %dma_wait3A_55 = arith.constant 0 : i32
      %dma_wait3A_56 = tpu.memref_slice %arg11[%add3A_10, %dma_wait3A_55] : memref<10240x128xf32, #tpu.memory_space<vmem_shared>> -> memref<320x128xf32, #tpu.memory_space<vmem_shared>>
      %dma_wait3A_57 = arith.constant 0 : i32
      %dma_wait3A_58 = arith.constant 0 : i32
      %dma_wait3A_59 = tpu.memref_slice %arg10[%dma_wait3A_57, %dma_wait3A_58] : memref<368x128xf32, #tpu.memory_space<vmem>> -> memref<320x128xf32, #tpu.memory_space<vmem>>
      tpu.wait_dma2 semaphore(%run_scoped3A : memref<!tpu.dma_semaphore, #tpu.memory_space<semaphore_mem>>) src(%dma_wait3A_59 : memref<320x128xf32, #tpu.memory_space<vmem>>) dst(%dma_wait3A_56 : memref<320x128xf32, #tpu.memory_space<vmem_shared>>)
      tpu.yield
    }) : () -> ()
    %mul3A_11 = arith.constant 640 : i32
    %mul3A_12 = arith.muli %arg1, %mul3A_11 : i32
    %add3A_13 = arith.constant 320 : i32
    %add3A_14 = arith.addi %mul3A_12, %add3A_13 : i32
    "tpu.region"() ({
      %run_scoped3A = tpu.sem_alloc : memref<!tpu.dma_semaphore, #tpu.memory_space<semaphore_mem>>
      %dma_start3A_40 = arith.constant 0 : i32
      %dma_start3A_41 = arith.constant 0 : i32
      %dma_start3A_42 = tpu.memref_slice %arg10[%dma_start3A_40, %dma_start3A_41] : memref<368x128xf32, #tpu.memory_space<vmem>> -> memref<320x128xf32, #tpu.memory_space<vmem>>
      %dma_start3A_43 = arith.constant 0 : i32
      %dma_start3A_44 = tpu.memref_slice %arg11[%add3A_14, %dma_start3A_43] : memref<10240x128xf32, #tpu.memory_space<vmem_shared>> -> memref<320x128xf32, #tpu.memory_space<vmem_shared>>
      %dma_start3A_45 = arith.constant 0 : i32
      %dma_start3A_46 = tpu.memref_slice %arg11[%add3A_14, %dma_start3A_45] : memref<10240x128xf32, #tpu.memory_space<vmem_shared>> -> memref<320x128xf32, #tpu.memory_space<vmem_shared>>
      %dma_start3A_47 = arith.constant 0 : i32
      %dma_start3A_48 = arith.constant 0 : i32
      %dma_start3A_49 = tpu.memref_slice %arg10[%dma_start3A_47, %dma_start3A_48] : memref<368x128xf32, #tpu.memory_space<vmem>> -> memref<320x128xf32, #tpu.memory_space<vmem>>
      tpu.enqueue_dma source(%dma_start3A_49 : memref<320x128xf32, #tpu.memory_space<vmem>>) target(%dma_start3A_46 : memref<320x128xf32, #tpu.memory_space<vmem_shared>>) target_semaphore(%run_scoped3A : memref<!tpu.dma_semaphore, #tpu.memory_space<semaphore_mem>>)
      %dma_wait3A_50 = arith.constant 0 : i32
      %dma_wait3A_51 = arith.constant 0 : i32
      %dma_wait3A_52 = tpu.memref_slice %arg10[%dma_wait3A_50, %dma_wait3A_51] : memref<368x128xf32, #tpu.memory_space<vmem>> -> memref<320x128xf32, #tpu.memory_space<vmem>>
      %dma_wait3A_53 = arith.constant 0 : i32
      %dma_wait3A_54 = tpu.memref_slice %arg11[%add3A_14, %dma_wait3A_53] : memref<10240x128xf32, #tpu.memory_space<vmem_shared>> -> memref<320x128xf32, #tpu.memory_space<vmem_shared>>
      %dma_wait3A_55 = arith.constant 0 : i32
      %dma_wait3A_56 = tpu.memref_slice %arg11[%add3A_14, %dma_wait3A_55] : memref<10240x128xf32, #tpu.memory_space<vmem_shared>> -> memref<320x128xf32, #tpu.memory_space<vmem_shared>>
      %dma_wait3A_57 = arith.constant 0 : i32
      %dma_wait3A_58 = arith.constant 0 : i32
      %dma_wait3A_59 = tpu.memref_slice %arg10[%dma_wait3A_57, %dma_wait3A_58] : memref<368x128xf32, #tpu.memory_space<vmem>> -> memref<320x128xf32, #tpu.memory_space<vmem>>
      tpu.wait_dma2 semaphore(%run_scoped3A : memref<!tpu.dma_semaphore, #tpu.memory_space<semaphore_mem>>) src(%dma_wait3A_59 : memref<320x128xf32, #tpu.memory_space<vmem>>) dst(%dma_wait3A_56 : memref<320x128xf32, #tpu.memory_space<vmem_shared>>)
      tpu.yield
    }) : () -> ()
    %barrier3A = arith.constant 0 : index
    tpu.barrier barrier_id(%barrier3A)
    %mul3A_15 = arith.constant 10000 : i32
    %mul3A_16 = arith.muli %add3A, %mul3A_15 : i32
    %scan3A_17 = arith.constant 0 : i32
    %scan3A_18 = arith.constant 0 : i32
    %scan3A_19 = arith.constant 27 : i32
    %scan3A_20 = arith.addi %scan3A_18, %scan3A_19 : i32
    %scan3A_21 = arith.constant 1 : i32
    scf.for %scan3A_40 = %scan3A_18 to %scan3A_20 step %scan3A_21  : i32 {
      %mul3A_41 = arith.constant 368 : i32
      %mul3A_42 = arith.muli %scan3A_40, %mul3A_41 : i32
      %add3A_43 = arith.addi %mul3A_16, %mul3A_42 : i32
      "tpu.region"() ({
        %run_scoped3A = tpu.sem_alloc : memref<!tpu.dma_semaphore, #tpu.memory_space<semaphore_mem>>
        %dma_start3A_50 = tpu.memref_slice %arg3[%add3A_43] : memref<320000xi32, #tpu.memory_space<hbm>> -> memref<368xi32, #tpu.memory_space<hbm>>
        %dma_start3A_51 = tpu.memref_slice %arg3[%add3A_43] : memref<320000xi32, #tpu.memory_space<hbm>> -> memref<368xi32, #tpu.memory_space<hbm>>
        tpu.enqueue_dma source(%dma_start3A_51 : memref<368xi32, #tpu.memory_space<hbm>>) target(%arg6 : memref<368xi32, #tpu.memory_space<vmem>>) target_semaphore(%run_scoped3A : memref<!tpu.dma_semaphore, #tpu.memory_space<semaphore_mem>>)
        %dma_wait3A_52 = tpu.memref_slice %arg3[%add3A_43] : memref<320000xi32, #tpu.memory_space<hbm>> -> memref<368xi32, #tpu.memory_space<hbm>>
        %dma_wait3A_53 = tpu.memref_slice %arg3[%add3A_43] : memref<320000xi32, #tpu.memory_space<hbm>> -> memref<368xi32, #tpu.memory_space<hbm>>
        tpu.wait_dma2 semaphore(%run_scoped3A : memref<!tpu.dma_semaphore, #tpu.memory_space<semaphore_mem>>) src(%dma_wait3A_53 : memref<368xi32, #tpu.memory_space<hbm>>) dst(%arg6 : memref<368xi32, #tpu.memory_space<vmem>>)
        tpu.yield
      }) : () -> ()
      "tpu.region"() ({
        %run_scoped3A = tpu.sem_alloc : memref<!tpu.dma_semaphore, #tpu.memory_space<semaphore_mem>>
        %dma_start3A_50 = tpu.memref_slice %arg4[%add3A_43] : memref<320000xi32, #tpu.memory_space<hbm>> -> memref<368xi32, #tpu.memory_space<hbm>>
        %dma_start3A_51 = tpu.memref_slice %arg4[%add3A_43] : memref<320000xi32, #tpu.memory_space<hbm>> -> memref<368xi32, #tpu.memory_space<hbm>>
        tpu.enqueue_dma source(%dma_start3A_51 : memref<368xi32, #tpu.memory_space<hbm>>) target(%arg7 : memref<368xi32, #tpu.memory_space<vmem>>) target_semaphore(%run_scoped3A : memref<!tpu.dma_semaphore, #tpu.memory_space<semaphore_mem>>)
        %dma_wait3A_52 = tpu.memref_slice %arg4[%add3A_43] : memref<320000xi32, #tpu.memory_space<hbm>> -> memref<368xi32, #tpu.memory_space<hbm>>
        %dma_wait3A_53 = tpu.memref_slice %arg4[%add3A_43] : memref<320000xi32, #tpu.memory_space<hbm>> -> memref<368xi32, #tpu.memory_space<hbm>>
        tpu.wait_dma2 semaphore(%run_scoped3A : memref<!tpu.dma_semaphore, #tpu.memory_space<semaphore_mem>>) src(%dma_wait3A_53 : memref<368xi32, #tpu.memory_space<hbm>>) dst(%arg7 : memref<368xi32, #tpu.memory_space<vmem>>)
        tpu.yield
      }) : () -> ()
      %dma_start3A_44 = arith.constant 0 : i32
      %dma_start3A_45 = arith.constant 0 : i32
      %dma_start3A_46 = tpu.memref_slice %arg2[%dma_start3A_44, %dma_start3A_45] : memref<10000x128xf32, #tpu.memory_space<hbm>> -> memref<10000x128xf32, #tpu.memory_space<hbm>>
      tpu.enqueue_indirect_dma source(%dma_start3A_46 : memref<10000x128xf32, #tpu.memory_space<hbm>>) target(%arg10 : memref<368x128xf32, #tpu.memory_space<vmem>>) offsets(%arg6 : memref<368xi32, #tpu.memory_space<vmem>>) semaphore(%arg12 : memref<!tpu.dma_semaphore, #tpu.memory_space<semaphore_mem>>)
      %dma_wait3A_47 = arith.constant 0 : i32
      %dma_wait3A_48 = arith.constant 0 : i32
      %dma_wait3A_49 = tpu.memref_slice %arg2[%dma_wait3A_47, %dma_wait3A_48] : memref<10000x128xf32, #tpu.memory_space<hbm>> -> memref<10000x128xf32, #tpu.memory_space<hbm>>
      tpu.wait_indirect_dma semaphore(%arg12 : memref<!tpu.dma_semaphore, #tpu.memory_space<semaphore_mem>>) src(%dma_wait3A_49 : memref<10000x128xf32, #tpu.memory_space<hbm>>) dst(%arg10 : memref<368x128xf32, #tpu.memory_space<vmem>>)
      "tpu.region"() ({
        %run_scoped3A = tpu.sem_alloc : memref<!tpu.dma_semaphore, #tpu.memory_space<semaphore_mem>>
        %dma_start3A_50 = arith.constant 0 : i32
        %dma_start3A_51 = arith.constant 0 : i32
        %dma_start3A_52 = tpu.memref_slice %arg11[%dma_start3A_50, %dma_start3A_51] : memref<10240x128xf32, #tpu.memory_space<vmem_shared>> -> memref<10240x128xf32, #tpu.memory_space<vmem_shared>>
        tpu.enqueue_indirect_dma source(%arg10 : memref<368x128xf32, #tpu.memory_space<vmem>>) target(%dma_start3A_52 : memref<10240x128xf32, #tpu.memory_space<vmem_shared>>) offsets(%arg7 : memref<368xi32, #tpu.memory_space<vmem>>) semaphore(%run_scoped3A : memref<!tpu.dma_semaphore, #tpu.memory_space<semaphore_mem>>) {add = true}
        %dma_wait3A_53 = arith.constant 0 : i32
        %dma_wait3A_54 = arith.constant 0 : i32
        %dma_wait3A_55 = tpu.memref_slice %arg11[%dma_wait3A_53, %dma_wait3A_54] : memref<10240x128xf32, #tpu.memory_space<vmem_shared>> -> memref<10240x128xf32, #tpu.memory_space<vmem_shared>>
        tpu.wait_indirect_dma semaphore(%run_scoped3A : memref<!tpu.dma_semaphore, #tpu.memory_space<semaphore_mem>>) src(%arg10 : memref<368x128xf32, #tpu.memory_space<vmem>>) dst(%dma_wait3A_55 : memref<10240x128xf32, #tpu.memory_space<vmem_shared>>)
        tpu.yield
      }) : () -> ()
    }
    %scan3A_22 = arith.constant 27 : i32
    %add3A_23 = arith.constant 9936 : i32
    %add3A_24 = arith.addi %mul3A_16, %add3A_23 : i32
    "tpu.region"() ({
      %run_scoped3A = tpu.sem_alloc : memref<!tpu.dma_semaphore, #tpu.memory_space<semaphore_mem>>
      %dma_start3A_40 = tpu.memref_slice %arg3[%add3A_24] : memref<320000xi32, #tpu.memory_space<hbm>> -> memref<64xi32, #tpu.memory_space<hbm>>
      %dma_start3A_41 = tpu.memref_slice %arg3[%add3A_24] : memref<320000xi32, #tpu.memory_space<hbm>> -> memref<64xi32, #tpu.memory_space<hbm>>
      tpu.enqueue_dma source(%dma_start3A_41 : memref<64xi32, #tpu.memory_space<hbm>>) target(%arg8 : memref<64xi32, #tpu.memory_space<vmem>>) target_semaphore(%run_scoped3A : memref<!tpu.dma_semaphore, #tpu.memory_space<semaphore_mem>>)
      %dma_wait3A_42 = tpu.memref_slice %arg3[%add3A_24] : memref<320000xi32, #tpu.memory_space<hbm>> -> memref<64xi32, #tpu.memory_space<hbm>>
      %dma_wait3A_43 = tpu.memref_slice %arg3[%add3A_24] : memref<320000xi32, #tpu.memory_space<hbm>> -> memref<64xi32, #tpu.memory_space<hbm>>
      tpu.wait_dma2 semaphore(%run_scoped3A : memref<!tpu.dma_semaphore, #tpu.memory_space<semaphore_mem>>) src(%dma_wait3A_43 : memref<64xi32, #tpu.memory_space<hbm>>) dst(%arg8 : memref<64xi32, #tpu.memory_space<vmem>>)
      tpu.yield
    }) : () -> ()
    "tpu.region"() ({
      %run_scoped3A = tpu.sem_alloc : memref<!tpu.dma_semaphore, #tpu.memory_space<semaphore_mem>>
      %dma_start3A_40 = tpu.memref_slice %arg4[%add3A_24] : memref<320000xi32, #tpu.memory_space<hbm>> -> memref<64xi32, #tpu.memory_space<hbm>>
      %dma_start3A_41 = tpu.memref_slice %arg4[%add3A_24] : memref<320000xi32, #tpu.memory_space<hbm>> -> memref<64xi32, #tpu.memory_space<hbm>>
      tpu.enqueue_dma source(%dma_start3A_41 : memref<64xi32, #tpu.memory_space<hbm>>) target(%arg9 : memref<64xi32, #tpu.memory_space<vmem>>) target_semaphore(%run_scoped3A : memref<!tpu.dma_semaphore, #tpu.memory_space<semaphore_mem>>)
      %dma_wait3A_42 = tpu.memref_slice %arg4[%add3A_24] : memref<320000xi32, #tpu.memory_space<hbm>> -> memref<64xi32, #tpu.memory_space<hbm>>
      %dma_wait3A_43 = tpu.memref_slice %arg4[%add3A_24] : memref<320000xi32, #tpu.memory_space<hbm>> -> memref<64xi32, #tpu.memory_space<hbm>>
      tpu.wait_dma2 semaphore(%run_scoped3A : memref<!tpu.dma_semaphore, #tpu.memory_space<semaphore_mem>>) src(%dma_wait3A_43 : memref<64xi32, #tpu.memory_space<hbm>>) dst(%arg9 : memref<64xi32, #tpu.memory_space<vmem>>)
      tpu.yield
    }) : () -> ()
    %dma_start3A = arith.constant 0 : i32
    %dma_start3A_25 = arith.constant 0 : i32
    %dma_start3A_26 = tpu.memref_slice %arg10[%dma_start3A, %dma_start3A_25] : memref<368x128xf32, #tpu.memory_space<vmem>> -> memref<64x128xf32, #tpu.memory_space<vmem>>
    %dma_start3A_27 = arith.constant 0 : i32
    %dma_start3A_28 = arith.constant 0 : i32
    %dma_start3A_29 = tpu.memref_slice %arg2[%dma_start3A_27, %dma_start3A_28] : memref<10000x128xf32, #tpu.memory_space<hbm>> -> memref<10000x128xf32, #tpu.memory_space<hbm>>
    tpu.enqueue_indirect_dma source(%dma_start3A_29 : memref<10000x128xf32, #tpu.memory_space<hbm>>) target(%dma_start3A_26 : memref<64x128xf32, #tpu.memory_space<vmem>>) offsets(%arg8 : memref<64xi32, #tpu.memory_space<vmem>>) semaphore(%arg12 : memref<!tpu.dma_semaphore, #tpu.memory_space<semaphore_mem>>)
    %dma_wait3A = arith.constant 0 : i32
    %dma_wait3A_30 = arith.constant 0 : i32
    %dma_wait3A_31 = tpu.memref_slice %arg10[%dma_wait3A, %dma_wait3A_30] : memref<368x128xf32, #tpu.memory_space<vmem>> -> memref<64x128xf32, #tpu.memory_space<vmem>>
    %dma_wait3A_32 = arith.constant 0 : i32
    %dma_wait3A_33 = arith.constant 0 : i32
    %dma_wait3A_34 = tpu.memref_slice %arg2[%dma_wait3A_32, %dma_wait3A_33] : memref<10000x128xf32, #tpu.memory_space<hbm>> -> memref<10000x128xf32, #tpu.memory_space<hbm>>
    tpu.wait_indirect_dma semaphore(%arg12 : memref<!tpu.dma_semaphore, #tpu.memory_space<semaphore_mem>>) src(%dma_wait3A_34 : memref<10000x128xf32, #tpu.memory_space<hbm>>) dst(%dma_wait3A_31 : memref<64x128xf32, #tpu.memory_space<vmem>>)
    "tpu.region"() ({
      %run_scoped3A = tpu.sem_alloc : memref<!tpu.dma_semaphore, #tpu.memory_space<semaphore_mem>>
      %dma_start3A_40 = arith.constant 0 : i32
      %dma_start3A_41 = arith.constant 0 : i32
      %dma_start3A_42 = tpu.memref_slice %arg10[%dma_start3A_40, %dma_start3A_41] : memref<368x128xf32, #tpu.memory_space<vmem>> -> memref<64x128xf32, #tpu.memory_space<vmem>>
      %dma_start3A_43 = arith.constant 0 : i32
      %dma_start3A_44 = arith.constant 0 : i32
      %dma_start3A_45 = tpu.memref_slice %arg11[%dma_start3A_43, %dma_start3A_44] : memref<10240x128xf32, #tpu.memory_space<vmem_shared>> -> memref<10240x128xf32, #tpu.memory_space<vmem_shared>>
      tpu.enqueue_indirect_dma source(%dma_start3A_42 : memref<64x128xf32, #tpu.memory_space<vmem>>) target(%dma_start3A_45 : memref<10240x128xf32, #tpu.memory_space<vmem_shared>>) offsets(%arg9 : memref<64xi32, #tpu.memory_space<vmem>>) semaphore(%run_scoped3A : memref<!tpu.dma_semaphore, #tpu.memory_space<semaphore_mem>>) {add = true}
      %dma_wait3A_46 = arith.constant 0 : i32
      %dma_wait3A_47 = arith.constant 0 : i32
      %dma_wait3A_48 = tpu.memref_slice %arg10[%dma_wait3A_46, %dma_wait3A_47] : memref<368x128xf32, #tpu.memory_space<vmem>> -> memref<64x128xf32, #tpu.memory_space<vmem>>
      %dma_wait3A_49 = arith.constant 0 : i32
      %dma_wait3A_50 = arith.constant 0 : i32
      %dma_wait3A_51 = tpu.memref_slice %arg11[%dma_wait3A_49, %dma_wait3A_50] : memref<10240x128xf32, #tpu.memory_space<vmem_shared>> -> memref<10240x128xf32, #tpu.memory_space<vmem_shared>>
      tpu.wait_indirect_dma semaphore(%run_scoped3A : memref<!tpu.dma_semaphore, #tpu.memory_space<semaphore_mem>>) src(%dma_wait3A_48 : memref<64x128xf32, #tpu.memory_space<vmem>>) dst(%dma_wait3A_51 : memref<10240x128xf32, #tpu.memory_space<vmem_shared>>)
      tpu.yield
    }) : () -> ()
    %barrier3A_35 = arith.constant 0 : index
    tpu.barrier barrier_id(%barrier3A_35)
    %mul3A_36 = arith.constant 640 : i32
    %mul3A_37 = arith.muli %arg1, %mul3A_36 : i32
    %mul3A_38 = arith.constant 640 : i32
    %mul3A_39 = arith.muli %arg1, %mul3A_38 : i32
    "tpu.region"() ({
      %run_scoped3A = tpu.sem_alloc : memref<!tpu.dma_semaphore, #tpu.memory_space<semaphore_mem>>
      %dma_start3A_40 = arith.constant 0 : i32
      %dma_start3A_41 = tpu.memref_slice %arg5[%arg0, %mul3A_39, %dma_start3A_40] : memref<2x10240x128xf32, #tpu.memory_space<hbm>> -> memref<1x640x128xf32, #tpu.memory_space<hbm>>
      %dma_start3A_42 = tpu.memref_squeeze %dma_start3A_41 : memref<1x640x128xf32, #tpu.memory_space<hbm>> -> memref<640x128xf32, #tpu.memory_space<hbm>>
      %dma_start3A_43 = arith.constant 0 : i32
      %dma_start3A_44 = tpu.memref_slice %arg11[%mul3A_37, %dma_start3A_43] : memref<10240x128xf32, #tpu.memory_space<vmem_shared>> -> memref<640x128xf32, #tpu.memory_space<vmem_shared>>
      tpu.enqueue_dma source(%dma_start3A_44 : memref<640x128xf32, #tpu.memory_space<vmem_shared>>) target(%dma_start3A_42 : memref<640x128xf32, #tpu.memory_space<hbm>>) target_semaphore(%run_scoped3A : memref<!tpu.dma_semaphore, #tpu.memory_space<semaphore_mem>>)
      %dma_wait3A_45 = arith.constant 0 : i32
      %dma_wait3A_46 = tpu.memref_slice %arg5[%arg0, %mul3A_39, %dma_wait3A_45] : memref<2x10240x128xf32, #tpu.memory_space<hbm>> -> memref<1x640x128xf32, #tpu.memory_space<hbm>>
      %dma_wait3A_47 = tpu.memref_squeeze %dma_wait3A_46 : memref<1x640x128xf32, #tpu.memory_space<hbm>> -> memref<640x128xf32, #tpu.memory_space<hbm>>
      %dma_wait3A_48 = arith.constant 0 : i32
      %dma_wait3A_49 = tpu.memref_slice %arg11[%mul3A_37, %dma_wait3A_48] : memref<10240x128xf32, #tpu.memory_space<vmem_shared>> -> memref<640x128xf32, #tpu.memory_space<vmem_shared>>
      tpu.wait_dma2 semaphore(%run_scoped3A : memref<!tpu.dma_semaphore, #tpu.memory_space<semaphore_mem>>) src(%dma_wait3A_49 : memref<640x128xf32, #tpu.memory_space<vmem_shared>>) dst(%dma_wait3A_47 : memref<640x128xf32, #tpu.memory_space<hbm>>)
      tpu.yield
    }) : () -> ()
    return
  }
}

#map = affine_map<(d0, d1) -> (0, 0)>
#map1 = affine_map<(d0, d1) -> (0)>
#map2 = affine_map<(d0, d1) -> (0, 0, 0)>
module attributes {stable_mosaic.version = 14 : i64} {
  func.func @_segsum_kernel(%arg0: i32, %arg1: i32, %arg2: memref<10000x128xf32, #tpu.memory_space<hbm>>, %arg3: memref<320000xi32, #tpu.memory_space<hbm>>, %arg4: memref<320000xi32, #tpu.memory_space<hbm>>, %arg5: memref<2x10240x128xf32, #tpu.memory_space<hbm>>, %arg6: memref<368xi32, #tpu.memory_space<vmem>>, %arg7: memref<368xi32, #tpu.memory_space<vmem>>, %arg8: memref<64xi32, #tpu.memory_space<vmem>>, %arg9: memref<64xi32, #tpu.memory_space<vmem>>, %arg10: memref<368x128xf32, #tpu.memory_space<vmem>>, %arg11: memref<10240x128xf32, #tpu.memory_space<vmem_shared>>, %arg12: memref<!tpu.dma_semaphore, #tpu.memory_space<semaphore_mem>>) attributes {dimension_semantics = [#tpu.dimension_semantics<core_parallel>, #tpu.dimension_semantics<subcore_parallel>], iteration_bounds = array<i64: 2, 16>, scalar_prefetch = 0 : i64, scratch_operands = 7 : i64, tpu.core_type = #tpu.core_type<sc_vector_subcore>, window_params = [{transform_indices = #map}, {transform_indices = #map1}, {transform_indices = #map1}, {transform_indices = #map2}]} {
    %mul3A = arith.constant 2 : i32
    %mul3A_0 = arith.muli %arg1, %mul3A : i32
    %add3A = arith.addi %mul3A_0, %arg0 : i32
    %broadcast_in_dim3A = arith.constant 0.000000e+00 : f32
    %broadcast_in_dim3A_1 = vector.broadcast %broadcast_in_dim3A : f32 to vector<16xf32>
    %scan3A = arith.constant 0 : i32
    %scan3A_2 = arith.constant 0 : i32
    %scan3A_3 = arith.constant 320 : i32
    %scan3A_4 = arith.addi %scan3A_2, %scan3A_3 : i32
    %scan3A_5 = arith.constant 1 : i32
    scf.for %scan3A_40 = %scan3A_2 to %scan3A_4 step %scan3A_5  : i32 {
      %swap3A = arith.index_cast %scan3A_40 : i32 to index
      %swap3A_41 = arith.constant 0 : index
      %swap3A_42 = tpu.vector_load %arg10[%swap3A, %swap3A_41] {strides = array<i32>} : memref<368x128xf32, #tpu.memory_space<vmem>>, vector<1x16xf32>,
      %swap3A_43 = vector.shape_cast %swap3A_42 : vector<1x16xf32> to vector<16xf32>
      %swap3A_44 = vector.shape_cast %broadcast_in_dim3A_1 : vector<16xf32> to vector<1x16xf32>
      tpu.vector_store %arg10[%swap3A, %swap3A_41], %swap3A_44 {strides = array<i32>} : memref<368x128xf32, #tpu.memory_space<vmem>>, vector<1x16xf32>,
      %swap3A_45 = arith.index_cast %scan3A_40 : i32 to index
      %swap3A_46 = arith.constant 16 : index
      %swap3A_47 = tpu.vector_load %arg10[%swap3A_45, %swap3A_46] {strides = array<i32>} : memref<368x128xf32, #tpu.memory_space<vmem>>, vector<1x16xf32>,
      %swap3A_48 = vector.shape_cast %swap3A_47 : vector<1x16xf32> to vector<16xf32>
      %swap3A_49 = vector.shape_cast %broadcast_in_dim3A_1 : vector<16xf32> to vector<1x16xf32>
      tpu.vector_store %arg10[%swap3A_45, %swap3A_46], %swap3A_49 {strides = array<i32>} : memref<368x128xf32, #tpu.memory_space<vmem>>, vector<1x16xf32>,
      %swap3A_50 = arith.index_cast %scan3A_40 : i32 to index
      %swap3A_51 = arith.constant 32 : index
      %swap3A_52 = tpu.vector_load %arg10[%swap3A_50, %swap3A_51] {strides = array<i32>} : memref<368x128xf32, #tpu.memory_space<vmem>>, vector<1x16xf32>,
      %swap3A_53 = vector.shape_cast %swap3A_52 : vector<1x16xf32> to vector<16xf32>
      %swap3A_54 = vector.shape_cast %broadcast_in_dim3A_1 : vector<16xf32> to vector<1x16xf32>
      tpu.vector_store %arg10[%swap3A_50, %swap3A_51], %swap3A_54 {strides = array<i32>} : memref<368x128xf32, #tpu.memory_space<vmem>>, vector<1x16xf32>,
      %swap3A_55 = arith.index_cast %scan3A_40 : i32 to index
      %swap3A_56 = arith.constant 48 : index
      %swap3A_57 = tpu.vector_load %arg10[%swap3A_55, %swap3A_56] {strides = array<i32>} : memref<368x128xf32, #tpu.memory_space<vmem>>, vector<1x16xf32>,
      %swap3A_58 = vector.shape_cast %swap3A_57 : vector<1x16xf32> to vector<16xf32>
      %swap3A_59 = vector.shape_cast %broadcast_in_dim3A_1 : vector<16xf32> to vector<1x16xf32>
      tpu.vector_store %arg10[%swap3A_55, %swap3A_56], %swap3A_59 {strides = array<i32>} : memref<368x128xf32, #tpu.memory_space<vmem>>, vector<1x16xf32>,
      %swap3A_60 = arith.index_cast %scan3A_40 : i32 to index
      %swap3A_61 = arith.constant 64 : index
      %swap3A_62 = tpu.vector_load %arg10[%swap3A_60, %swap3A_61] {strides = array<i32>} : memref<368x128xf32, #tpu.memory_space<vmem>>, vector<1x16xf32>,
      %swap3A_63 = vector.shape_cast %swap3A_62 : vector<1x16xf32> to vector<16xf32>
      %swap3A_64 = vector.shape_cast %broadcast_in_dim3A_1 : vector<16xf32> to vector<1x16xf32>
      tpu.vector_store %arg10[%swap3A_60, %swap3A_61], %swap3A_64 {strides = array<i32>} : memref<368x128xf32, #tpu.memory_space<vmem>>, vector<1x16xf32>,
      %swap3A_65 = arith.index_cast %scan3A_40 : i32 to index
      %swap3A_66 = arith.constant 80 : index
      %swap3A_67 = tpu.vector_load %arg10[%swap3A_65, %swap3A_66] {strides = array<i32>} : memref<368x128xf32, #tpu.memory_space<vmem>>, vector<1x16xf32>,
      %swap3A_68 = vector.shape_cast %swap3A_67 : vector<1x16xf32> to vector<16xf32>
      %swap3A_69 = vector.shape_cast %broadcast_in_dim3A_1 : vector<16xf32> to vector<1x16xf32>
      tpu.vector_store %arg10[%swap3A_65, %swap3A_66], %swap3A_69 {strides = array<i32>} : memref<368x128xf32, #tpu.memory_space<vmem>>, vector<1x16xf32>,
      %swap3A_70 = arith.index_cast %scan3A_40 : i32 to index
      %swap3A_71 = arith.constant 96 : index
      %swap3A_72 = tpu.vector_load %arg10[%swap3A_70, %swap3A_71] {strides = array<i32>} : memref<368x128xf32, #tpu.memory_space<vmem>>, vector<1x16xf32>,
      %swap3A_73 = vector.shape_cast %swap3A_72 : vector<1x16xf32> to vector<16xf32>
      %swap3A_74 = vector.shape_cast %broadcast_in_dim3A_1 : vector<16xf32> to vector<1x16xf32>
      tpu.vector_store %arg10[%swap3A_70, %swap3A_71], %swap3A_74 {strides = array<i32>} : memref<368x128xf32, #tpu.memory_space<vmem>>, vector<1x16xf32>,
      %swap3A_75 = arith.index_cast %scan3A_40 : i32 to index
      %swap3A_76 = arith.constant 112 : index
      %swap3A_77 = tpu.vector_load %arg10[%swap3A_75, %swap3A_76] {strides = array<i32>} : memref<368x128xf32, #tpu.memory_space<vmem>>, vector<1x16xf32>,
      %swap3A_78 = vector.shape_cast %swap3A_77 : vector<1x16xf32> to vector<16xf32>
      %swap3A_79 = vector.shape_cast %broadcast_in_dim3A_1 : vector<16xf32> to vector<1x16xf32>
      tpu.vector_store %arg10[%swap3A_75, %swap3A_76], %swap3A_79 {strides = array<i32>} : memref<368x128xf32, #tpu.memory_space<vmem>>, vector<1x16xf32>,
    }
    %scan3A_6 = arith.constant 320 : i32
    %mul3A_7 = arith.constant 640 : i32
    %mul3A_8 = arith.muli %arg1, %mul3A_7 : i32
    %add3A_9 = arith.constant 0 : i32
    %add3A_10 = arith.addi %mul3A_8, %add3A_9 : i32
    "tpu.region"() ({
      %run_scoped3A = tpu.sem_alloc : memref<!tpu.dma_semaphore, #tpu.memory_space<semaphore_mem>>
      %dma_start3A_40 = arith.constant 0 : i32
      %dma_start3A_41 = arith.constant 0 : i32
      %dma_start3A_42 = tpu.memref_slice %arg10[%dma_start3A_40, %dma_start3A_41] : memref<368x128xf32, #tpu.memory_space<vmem>> -> memref<320x128xf32, #tpu.memory_space<vmem>>
      %dma_start3A_43 = arith.constant 0 : i32
      %dma_start3A_44 = tpu.memref_slice %arg11[%add3A_10, %dma_start3A_43] : memref<10240x128xf32, #tpu.memory_space<vmem_shared>> -> memref<320x128xf32, #tpu.memory_space<vmem_shared>>
      %dma_start3A_45 = arith.constant 0 : i32
      %dma_start3A_46 = tpu.memref_slice %arg11[%add3A_10, %dma_start3A_45] : memref<10240x128xf32, #tpu.memory_space<vmem_shared>> -> memref<320x128xf32, #tpu.memory_space<vmem_shared>>
      %dma_start3A_47 = arith.constant 0 : i32
      %dma_start3A_48 = arith.constant 0 : i32
      %dma_start3A_49 = tpu.memref_slice %arg10[%dma_start3A_47, %dma_start3A_48] : memref<368x128xf32, #tpu.memory_space<vmem>> -> memref<320x128xf32, #tpu.memory_space<vmem>>
      tpu.enqueue_dma source(%dma_start3A_49 : memref<320x128xf32, #tpu.memory_space<vmem>>) target(%dma_start3A_46 : memref<320x128xf32, #tpu.memory_space<vmem_shared>>) target_semaphore(%run_scoped3A : memref<!tpu.dma_semaphore, #tpu.memory_space<semaphore_mem>>)
      %dma_wait3A_50 = arith.constant 0 : i32
      %dma_wait3A_51 = arith.constant 0 : i32
      %dma_wait3A_52 = tpu.memref_slice %arg10[%dma_wait3A_50, %dma_wait3A_51] : memref<368x128xf32, #tpu.memory_space<vmem>> -> memref<320x128xf32, #tpu.memory_space<vmem>>
      %dma_wait3A_53 = arith.constant 0 : i32
      %dma_wait3A_54 = tpu.memref_slice %arg11[%add3A_10, %dma_wait3A_53] : memref<10240x128xf32, #tpu.memory_space<vmem_shared>> -> memref<320x128xf32, #tpu.memory_space<vmem_shared>>
      %dma_wait3A_55 = arith.constant 0 : i32
      %dma_wait3A_56 = tpu.memref_slice %arg11[%add3A_10, %dma_wait3A_55] : memref<10240x128xf32, #tpu.memory_space<vmem_shared>> -> memref<320x128xf32, #tpu.memory_space<vmem_shared>>
      %dma_wait3A_57 = arith.constant 0 : i32
      %dma_wait3A_58 = arith.constant 0 : i32
      %dma_wait3A_59 = tpu.memref_slice %arg10[%dma_wait3A_57, %dma_wait3A_58] : memref<368x128xf32, #tpu.memory_space<vmem>> -> memref<320x128xf32, #tpu.memory_space<vmem>>
      tpu.wait_dma2 semaphore(%run_scoped3A : memref<!tpu.dma_semaphore, #tpu.memory_space<semaphore_mem>>) src(%dma_wait3A_59 : memref<320x128xf32, #tpu.memory_space<vmem>>) dst(%dma_wait3A_56 : memref<320x128xf32, #tpu.memory_space<vmem_shared>>)
      tpu.yield
    }) : () -> ()
    %mul3A_11 = arith.constant 640 : i32
    %mul3A_12 = arith.muli %arg1, %mul3A_11 : i32
    %add3A_13 = arith.constant 320 : i32
    %add3A_14 = arith.addi %mul3A_12, %add3A_13 : i32
    "tpu.region"() ({
      %run_scoped3A = tpu.sem_alloc : memref<!tpu.dma_semaphore, #tpu.memory_space<semaphore_mem>>
      %dma_start3A_40 = arith.constant 0 : i32
      %dma_start3A_41 = arith.constant 0 : i32
      %dma_start3A_42 = tpu.memref_slice %arg10[%dma_start3A_40, %dma_start3A_41] : memref<368x128xf32, #tpu.memory_space<vmem>> -> memref<320x128xf32, #tpu.memory_space<vmem>>
      %dma_start3A_43 = arith.constant 0 : i32
      %dma_start3A_44 = tpu.memref_slice %arg11[%add3A_14, %dma_start3A_43] : memref<10240x128xf32, #tpu.memory_space<vmem_shared>> -> memref<320x128xf32, #tpu.memory_space<vmem_shared>>
      %dma_start3A_45 = arith.constant 0 : i32
      %dma_start3A_46 = tpu.memref_slice %arg11[%add3A_14, %dma_start3A_45] : memref<10240x128xf32, #tpu.memory_space<vmem_shared>> -> memref<320x128xf32, #tpu.memory_space<vmem_shared>>
      %dma_start3A_47 = arith.constant 0 : i32
      %dma_start3A_48 = arith.constant 0 : i32
      %dma_start3A_49 = tpu.memref_slice %arg10[%dma_start3A_47, %dma_start3A_48] : memref<368x128xf32, #tpu.memory_space<vmem>> -> memref<320x128xf32, #tpu.memory_space<vmem>>
      tpu.enqueue_dma source(%dma_start3A_49 : memref<320x128xf32, #tpu.memory_space<vmem>>) target(%dma_start3A_46 : memref<320x128xf32, #tpu.memory_space<vmem_shared>>) target_semaphore(%run_scoped3A : memref<!tpu.dma_semaphore, #tpu.memory_space<semaphore_mem>>)
      %dma_wait3A_50 = arith.constant 0 : i32
      %dma_wait3A_51 = arith.constant 0 : i32
      %dma_wait3A_52 = tpu.memref_slice %arg10[%dma_wait3A_50, %dma_wait3A_51] : memref<368x128xf32, #tpu.memory_space<vmem>> -> memref<320x128xf32, #tpu.memory_space<vmem>>
      %dma_wait3A_53 = arith.constant 0 : i32
      %dma_wait3A_54 = tpu.memref_slice %arg11[%add3A_14, %dma_wait3A_53] : memref<10240x128xf32, #tpu.memory_space<vmem_shared>> -> memref<320x128xf32, #tpu.memory_space<vmem_shared>>
      %dma_wait3A_55 = arith.constant 0 : i32
      %dma_wait3A_56 = tpu.memref_slice %arg11[%add3A_14, %dma_wait3A_55] : memref<10240x128xf32, #tpu.memory_space<vmem_shared>> -> memref<320x128xf32, #tpu.memory_space<vmem_shared>>
      %dma_wait3A_57 = arith.constant 0 : i32
      %dma_wait3A_58 = arith.constant 0 : i32
      %dma_wait3A_59 = tpu.memref_slice %arg10[%dma_wait3A_57, %dma_wait3A_58] : memref<368x128xf32, #tpu.memory_space<vmem>> -> memref<320x128xf32, #tpu.memory_space<vmem>>
      tpu.wait_dma2 semaphore(%run_scoped3A : memref<!tpu.dma_semaphore, #tpu.memory_space<semaphore_mem>>) src(%dma_wait3A_59 : memref<320x128xf32, #tpu.memory_space<vmem>>) dst(%dma_wait3A_56 : memref<320x128xf32, #tpu.memory_space<vmem_shared>>)
      tpu.yield
    }) : () -> ()
    %barrier3A = arith.constant 0 : index
    tpu.barrier barrier_id(%barrier3A)
    %mul3A_15 = arith.constant 10000 : i32
    %mul3A_16 = arith.muli %add3A, %mul3A_15 : i32
    %scan3A_17 = arith.constant 0 : i32
    %scan3A_18 = arith.constant 0 : i32
    %scan3A_19 = arith.constant 27 : i32
    %scan3A_20 = arith.addi %scan3A_18, %scan3A_19 : i32
    %scan3A_21 = arith.constant 1 : i32
    scf.for %scan3A_40 = %scan3A_18 to %scan3A_20 step %scan3A_21  : i32 {
      %mul3A_41 = arith.constant 368 : i32
      %mul3A_42 = arith.muli %scan3A_40, %mul3A_41 : i32
      %add3A_43 = arith.addi %mul3A_16, %mul3A_42 : i32
      "tpu.region"() ({
        %run_scoped3A = tpu.sem_alloc : memref<!tpu.dma_semaphore, #tpu.memory_space<semaphore_mem>>
        %dma_start3A_50 = tpu.memref_slice %arg3[%add3A_43] : memref<320000xi32, #tpu.memory_space<hbm>> -> memref<368xi32, #tpu.memory_space<hbm>>
        %dma_start3A_51 = tpu.memref_slice %arg3[%add3A_43] : memref<320000xi32, #tpu.memory_space<hbm>> -> memref<368xi32, #tpu.memory_space<hbm>>
        tpu.enqueue_dma source(%dma_start3A_51 : memref<368xi32, #tpu.memory_space<hbm>>) target(%arg6 : memref<368xi32, #tpu.memory_space<vmem>>) target_semaphore(%run_scoped3A : memref<!tpu.dma_semaphore, #tpu.memory_space<semaphore_mem>>)
        %dma_wait3A_52 = tpu.memref_slice %arg3[%add3A_43] : memref<320000xi32, #tpu.memory_space<hbm>> -> memref<368xi32, #tpu.memory_space<hbm>>
        %dma_wait3A_53 = tpu.memref_slice %arg3[%add3A_43] : memref<320000xi32, #tpu.memory_space<hbm>> -> memref<368xi32, #tpu.memory_space<hbm>>
        tpu.wait_dma2 semaphore(%run_scoped3A : memref<!tpu.dma_semaphore, #tpu.memory_space<semaphore_mem>>) src(%dma_wait3A_53 : memref<368xi32, #tpu.memory_space<hbm>>) dst(%arg6 : memref<368xi32, #tpu.memory_space<vmem>>)
        tpu.yield
      }) : () -> ()
      "tpu.region"() ({
        %run_scoped3A = tpu.sem_alloc : memref<!tpu.dma_semaphore, #tpu.memory_space<semaphore_mem>>
        %dma_start3A_50 = tpu.memref_slice %arg4[%add3A_43] : memref<320000xi32, #tpu.memory_space<hbm>> -> memref<368xi32, #tpu.memory_space<hbm>>
        %dma_start3A_51 = tpu.memref_slice %arg4[%add3A_43] : memref<320000xi32, #tpu.memory_space<hbm>> -> memref<368xi32, #tpu.memory_space<hbm>>
        tpu.enqueue_dma source(%dma_start3A_51 : memref<368xi32, #tpu.memory_space<hbm>>) target(%arg7 : memref<368xi32, #tpu.memory_space<vmem>>) target_semaphore(%run_scoped3A : memref<!tpu.dma_semaphore, #tpu.memory_space<semaphore_mem>>)
        %dma_wait3A_52 = tpu.memref_slice %arg4[%add3A_43] : memref<320000xi32, #tpu.memory_space<hbm>> -> memref<368xi32, #tpu.memory_space<hbm>>
        %dma_wait3A_53 = tpu.memref_slice %arg4[%add3A_43] : memref<320000xi32, #tpu.memory_space<hbm>> -> memref<368xi32, #tpu.memory_space<hbm>>
        tpu.wait_dma2 semaphore(%run_scoped3A : memref<!tpu.dma_semaphore, #tpu.memory_space<semaphore_mem>>) src(%dma_wait3A_53 : memref<368xi32, #tpu.memory_space<hbm>>) dst(%arg7 : memref<368xi32, #tpu.memory_space<vmem>>)
        tpu.yield
      }) : () -> ()
      %dma_start3A_44 = arith.constant 0 : i32
      %dma_start3A_45 = arith.constant 0 : i32
      %dma_start3A_46 = tpu.memref_slice %arg2[%dma_start3A_44, %dma_start3A_45] : memref<10000x128xf32, #tpu.memory_space<hbm>> -> memref<10000x128xf32, #tpu.memory_space<hbm>>
      tpu.enqueue_indirect_dma source(%dma_start3A_46 : memref<10000x128xf32, #tpu.memory_space<hbm>>) target(%arg10 : memref<368x128xf32, #tpu.memory_space<vmem>>) offsets(%arg6 : memref<368xi32, #tpu.memory_space<vmem>>) semaphore(%arg12 : memref<!tpu.dma_semaphore, #tpu.memory_space<semaphore_mem>>)
      %dma_wait3A_47 = arith.constant 0 : i32
      %dma_wait3A_48 = arith.constant 0 : i32
      %dma_wait3A_49 = tpu.memref_slice %arg2[%dma_wait3A_47, %dma_wait3A_48] : memref<10000x128xf32, #tpu.memory_space<hbm>> -> memref<10000x128xf32, #tpu.memory_space<hbm>>
      tpu.wait_indirect_dma semaphore(%arg12 : memref<!tpu.dma_semaphore, #tpu.memory_space<semaphore_mem>>) src(%dma_wait3A_49 : memref<10000x128xf32, #tpu.memory_space<hbm>>) dst(%arg10 : memref<368x128xf32, #tpu.memory_space<vmem>>)
      "tpu.region"() ({
        %run_scoped3A = tpu.sem_alloc : memref<!tpu.dma_semaphore, #tpu.memory_space<semaphore_mem>>
        %dma_start3A_50 = arith.constant 0 : i32
        %dma_start3A_51 = arith.constant 0 : i32
        %dma_start3A_52 = tpu.memref_slice %arg11[%dma_start3A_50, %dma_start3A_51] : memref<10240x128xf32, #tpu.memory_space<vmem_shared>> -> memref<10240x128xf32, #tpu.memory_space<vmem_shared>>
        tpu.enqueue_indirect_dma source(%arg10 : memref<368x128xf32, #tpu.memory_space<vmem>>) target(%dma_start3A_52 : memref<10240x128xf32, #tpu.memory_space<vmem_shared>>) offsets(%arg7 : memref<368xi32, #tpu.memory_space<vmem>>) semaphore(%run_scoped3A : memref<!tpu.dma_semaphore, #tpu.memory_space<semaphore_mem>>) {add = true}
        %dma_wait3A_53 = arith.constant 0 : i32
        %dma_wait3A_54 = arith.constant 0 : i32
        %dma_wait3A_55 = tpu.memref_slice %arg11[%dma_wait3A_53, %dma_wait3A_54] : memref<10240x128xf32, #tpu.memory_space<vmem_shared>> -> memref<10240x128xf32, #tpu.memory_space<vmem_shared>>
        tpu.wait_indirect_dma semaphore(%run_scoped3A : memref<!tpu.dma_semaphore, #tpu.memory_space<semaphore_mem>>) src(%arg10 : memref<368x128xf32, #tpu.memory_space<vmem>>) dst(%dma_wait3A_55 : memref<10240x128xf32, #tpu.memory_space<vmem_shared>>)
        tpu.yield
      }) : () -> ()
    }
    %scan3A_22 = arith.constant 27 : i32
    %add3A_23 = arith.constant 9936 : i32
    %add3A_24 = arith.addi %mul3A_16, %add3A_23 : i32
    "tpu.region"() ({
      %run_scoped3A = tpu.sem_alloc : memref<!tpu.dma_semaphore, #tpu.memory_space<semaphore_mem>>
      %dma_start3A_40 = tpu.memref_slice %arg3[%add3A_24] : memref<320000xi32, #tpu.memory_space<hbm>> -> memref<64xi32, #tpu.memory_space<hbm>>
      %dma_start3A_41 = tpu.memref_slice %arg3[%add3A_24] : memref<320000xi32, #tpu.memory_space<hbm>> -> memref<64xi32, #tpu.memory_space<hbm>>
      tpu.enqueue_dma source(%dma_start3A_41 : memref<64xi32, #tpu.memory_space<hbm>>) target(%arg8 : memref<64xi32, #tpu.memory_space<vmem>>) target_semaphore(%run_scoped3A : memref<!tpu.dma_semaphore, #tpu.memory_space<semaphore_mem>>)
      %dma_wait3A_42 = tpu.memref_slice %arg3[%add3A_24] : memref<320000xi32, #tpu.memory_space<hbm>> -> memref<64xi32, #tpu.memory_space<hbm>>
      %dma_wait3A_43 = tpu.memref_slice %arg3[%add3A_24] : memref<320000xi32, #tpu.memory_space<hbm>> -> memref<64xi32, #tpu.memory_space<hbm>>
      tpu.wait_dma2 semaphore(%run_scoped3A : memref<!tpu.dma_semaphore, #tpu.memory_space<semaphore_mem>>) src(%dma_wait3A_43 : memref<64xi32, #tpu.memory_space<hbm>>) dst(%arg8 : memref<64xi32, #tpu.memory_space<vmem>>)
      tpu.yield
    }) : () -> ()
    "tpu.region"() ({
      %run_scoped3A = tpu.sem_alloc : memref<!tpu.dma_semaphore, #tpu.memory_space<semaphore_mem>>
      %dma_start3A_40 = tpu.memref_slice %arg4[%add3A_24] : memref<320000xi32, #tpu.memory_space<hbm>> -> memref<64xi32, #tpu.memory_space<hbm>>
      %dma_start3A_41 = tpu.memref_slice %arg4[%add3A_24] : memref<320000xi32, #tpu.memory_space<hbm>> -> memref<64xi32, #tpu.memory_space<hbm>>
      tpu.enqueue_dma source(%dma_start3A_41 : memref<64xi32, #tpu.memory_space<hbm>>) target(%arg9 : memref<64xi32, #tpu.memory_space<vmem>>) target_semaphore(%run_scoped3A : memref<!tpu.dma_semaphore, #tpu.memory_space<semaphore_mem>>)
      %dma_wait3A_42 = tpu.memref_slice %arg4[%add3A_24] : memref<320000xi32, #tpu.memory_space<hbm>> -> memref<64xi32, #tpu.memory_space<hbm>>
      %dma_wait3A_43 = tpu.memref_slice %arg4[%add3A_24] : memref<320000xi32, #tpu.memory_space<hbm>> -> memref<64xi32, #tpu.memory_space<hbm>>
      tpu.wait_dma2 semaphore(%run_scoped3A : memref<!tpu.dma_semaphore, #tpu.memory_space<semaphore_mem>>) src(%dma_wait3A_43 : memref<64xi32, #tpu.memory_space<hbm>>) dst(%arg9 : memref<64xi32, #tpu.memory_space<vmem>>)
      tpu.yield
    }) : () -> ()
    %dma_start3A = arith.constant 0 : i32
    %dma_start3A_25 = arith.constant 0 : i32
    %dma_start3A_26 = tpu.memref_slice %arg10[%dma_start3A, %dma_start3A_25] : memref<368x128xf32, #tpu.memory_space<vmem>> -> memref<64x128xf32, #tpu.memory_space<vmem>>
    %dma_start3A_27 = arith.constant 0 : i32
    %dma_start3A_28 = arith.constant 0 : i32
    %dma_start3A_29 = tpu.memref_slice %arg2[%dma_start3A_27, %dma_start3A_28] : memref<10000x128xf32, #tpu.memory_space<hbm>> -> memref<10000x128xf32, #tpu.memory_space<hbm>>
    tpu.enqueue_indirect_dma source(%dma_start3A_29 : memref<10000x128xf32, #tpu.memory_space<hbm>>) target(%dma_start3A_26 : memref<64x128xf32, #tpu.memory_space<vmem>>) offsets(%arg8 : memref<64xi32, #tpu.memory_space<vmem>>) semaphore(%arg12 : memref<!tpu.dma_semaphore, #tpu.memory_space<semaphore_mem>>)
    %dma_wait3A = arith.constant 0 : i32
    %dma_wait3A_30 = arith.constant 0 : i32
    %dma_wait3A_31 = tpu.memref_slice %arg10[%dma_wait3A, %dma_wait3A_30] : memref<368x128xf32, #tpu.memory_space<vmem>> -> memref<64x128xf32, #tpu.memory_space<vmem>>
    %dma_wait3A_32 = arith.constant 0 : i32
    %dma_wait3A_33 = arith.constant 0 : i32
    %dma_wait3A_34 = tpu.memref_slice %arg2[%dma_wait3A_32, %dma_wait3A_33] : memref<10000x128xf32, #tpu.memory_space<hbm>> -> memref<10000x128xf32, #tpu.memory_space<hbm>>
    tpu.wait_indirect_dma semaphore(%arg12 : memref<!tpu.dma_semaphore, #tpu.memory_space<semaphore_mem>>) src(%dma_wait3A_34 : memref<10000x128xf32, #tpu.memory_space<hbm>>) dst(%dma_wait3A_31 : memref<64x128xf32, #tpu.memory_space<vmem>>)
    "tpu.region"() ({
      %run_scoped3A = tpu.sem_alloc : memref<!tpu.dma_semaphore, #tpu.memory_space<semaphore_mem>>
      %dma_start3A_40 = arith.constant 0 : i32
      %dma_start3A_41 = arith.constant 0 : i32
      %dma_start3A_42 = tpu.memref_slice %arg10[%dma_start3A_40, %dma_start3A_41] : memref<368x128xf32, #tpu.memory_space<vmem>> -> memref<64x128xf32, #tpu.memory_space<vmem>>
      %dma_start3A_43 = arith.constant 0 : i32
      %dma_start3A_44 = arith.constant 0 : i32
      %dma_start3A_45 = tpu.memref_slice %arg11[%dma_start3A_43, %dma_start3A_44] : memref<10240x128xf32, #tpu.memory_space<vmem_shared>> -> memref<10240x128xf32, #tpu.memory_space<vmem_shared>>
      tpu.enqueue_indirect_dma source(%dma_start3A_42 : memref<64x128xf32, #tpu.memory_space<vmem>>) target(%dma_start3A_45 : memref<10240x128xf32, #tpu.memory_space<vmem_shared>>) offsets(%arg9 : memref<64xi32, #tpu.memory_space<vmem>>) semaphore(%run_scoped3A : memref<!tpu.dma_semaphore, #tpu.memory_space<semaphore_mem>>) {add = true}
      %dma_wait3A_46 = arith.constant 0 : i32
      %dma_wait3A_47 = arith.constant 0 : i32
      %dma_wait3A_48 = tpu.memref_slice %arg10[%dma_wait3A_46, %dma_wait3A_47] : memref<368x128xf32, #tpu.memory_space<vmem>> -> memref<64x128xf32, #tpu.memory_space<vmem>>
      %dma_wait3A_49 = arith.constant 0 : i32
      %dma_wait3A_50 = arith.constant 0 : i32
      %dma_wait3A_51 = tpu.memref_slice %arg11[%dma_wait3A_49, %dma_wait3A_50] : memref<10240x128xf32, #tpu.memory_space<vmem_shared>> -> memref<10240x128xf32, #tpu.memory_space<vmem_shared>>
      tpu.wait_indirect_dma semaphore(%run_scoped3A : memref<!tpu.dma_semaphore, #tpu.memory_space<semaphore_mem>>) src(%dma_wait3A_48 : memref<64x128xf32, #tpu.memory_space<vmem>>) dst(%dma_wait3A_51 : memref<10240x128xf32, #tpu.memory_space<vmem_shared>>)
      tpu.yield
    }) : () -> ()
    %barrier3A_35 = arith.constant 0 : index
    tpu.barrier barrier_id(%barrier3A_35)
    %mul3A_36 = arith.constant 640 : i32
    %mul3A_37 = arith.muli %arg1, %mul3A_36 : i32
    %mul3A_38 = arith.constant 640 : i32
    %mul3A_39 = arith.muli %arg1, %mul3A_38 : i32
    "tpu.region"() ({
      %run_scoped3A = tpu.sem_alloc : memref<!tpu.dma_semaphore, #tpu.memory_space<semaphore_mem>>
      %dma_start3A_40 = arith.constant 0 : i32
      %dma_start3A_41 = tpu.memref_slice %arg5[%arg0, %mul3A_39, %dma_start3A_40] : memref<2x10240x128xf32, #tpu.memory_space<hbm>> -> memref<1x640x128xf32, #tpu.memory_space<hbm>>
      %dma_start3A_42 = tpu.memref_squeeze %dma_start3A_41 : memref<1x640x128xf32, #tpu.memory_space<hbm>> -> memref<640x128xf32, #tpu.memory_space<hbm>>
      %dma_start3A_43 = arith.constant 0 : i32
      %dma_start3A_44 = tpu.memref_slice %arg11[%mul3A_37, %dma_start3A_43] : memref<10240x128xf32, #tpu.memory_space<vmem_shared>> -> memref<640x128xf32, #tpu.memory_space<vmem_shared>>
      tpu.enqueue_dma source(%dma_start3A_44 : memref<640x128xf32, #tpu.memory_space<vmem_shared>>) target(%dma_start3A_42 : memref<640x128xf32, #tpu.memory_space<hbm>>) target_semaphore(%run_scoped3A : memref<!tpu.dma_semaphore, #tpu.memory_space<semaphore_mem>>)
      %dma_wait3A_45 = arith.constant 0 : i32
      %dma_wait3A_46 = tpu.memref_slice %arg5[%arg0, %mul3A_39, %dma_wait3A_45] : memref<2x10240x128xf32, #tpu.memory_space<hbm>> -> memref<1x640x128xf32, #tpu.memory_space<hbm>>
      %dma_wait3A_47 = tpu.memref_squeeze %dma_wait3A_46 : memref<1x640x128xf32, #tpu.memory_space<hbm>> -> memref<640x128xf32, #tpu.memory_space<hbm>>
      %dma_wait3A_48 = arith.constant 0 : i32
      %dma_wait3A_49 = tpu.memref_slice %arg11[%mul3A_37, %dma_wait3A_48] : memref<10240x128xf32, #tpu.memory_space<vmem_shared>> -> memref<640x128xf32, #tpu.memory_space<vmem_shared>>
      tpu.wait_dma2 semaphore(%run_scoped3A : memref<!tpu.dma_semaphore, #tpu.memory_space<semaphore_mem>>) src(%dma_wait3A_49 : memref<640x128xf32, #tpu.memory_space<vmem_shared>>) dst(%dma_wait3A_47 : memref<640x128xf32, #tpu.memory_space<hbm>>)
      tpu.yield
    }) : () -> ()
    return
  }
}

module attributes {stable_mosaic.version = 14 : i64} {
  func.func @_gc_body(%arg0: i32, %arg1: memref<2x2048x128xf32, #tpu.memory_space<vmem>>, %arg2: memref<128x256xf32, #tpu.memory_space<vmem>>, %arg3: memref<1x256xf32, #tpu.memory_space<vmem>>, %arg4: memref<256x128xf32, #tpu.memory_space<vmem>>, %arg5: memref<2048x128xf32, #tpu.memory_space<vmem>>) attributes {dimension_semantics = [#tpu.dimension_semantics<arbitrary>], iteration_bounds = array<i64: 5>, scalar_prefetch = 0 : i64, scratch_operands = 0 : i64, tpu.core_type = #tpu.core_type<tc>, window_params = [{transform_indices = @transform_0, window_bounds = array<i64: 2, 2048, 128>}, {pipeline_mode = #tpu.pipeline_mode<synchronous>, transform_indices = @transform_1, window_bounds = array<i64: 128, 256>}, {pipeline_mode = #tpu.pipeline_mode<synchronous>, transform_indices = @transform_2, window_bounds = array<i64: 1, 256>}, {pipeline_mode = #tpu.pipeline_mode<synchronous>, transform_indices = @transform_3, window_bounds = array<i64: 256, 128>}, {transform_indices = @transform_4, window_bounds = array<i64: 2048, 128>}]} {
    %get3A = arith.constant 0 : index
    %get3A_0 = arith.constant 0 : index
    %get3A_1 = arith.constant 0 : index
    %get3A_2 = vector.load %arg1[%get3A, %get3A_0, %get3A_1] : memref<2x2048x128xf32, #tpu.memory_space<vmem>>, vector<1x2048x128xf32>
    %get3A_3 = vector.shape_cast %get3A_2 : vector<1x2048x128xf32> to vector<2048x128xf32>
    %get3A_4 = arith.constant 1 : index
    %get3A_5 = arith.constant 0 : index
    %get3A_6 = arith.constant 0 : index
    %get3A_7 = vector.load %arg1[%get3A_4, %get3A_5, %get3A_6] : memref<2x2048x128xf32, #tpu.memory_space<vmem>>, vector<1x2048x128xf32>
    %get3A_8 = vector.shape_cast %get3A_7 : vector<1x2048x128xf32> to vector<2048x128xf32>
    %add3A = arith.addf %get3A_3, %get3A_8 : vector<2048x128xf32>
    %get3A_9 = arith.constant 0 : index
    %get3A_10 = arith.constant 0 : index
    %get3A_11 = vector.load %arg2[%get3A_9, %get3A_10] : memref<128x256xf32, #tpu.memory_space<vmem>>, vector<128x256xf32>
    %dot_general3A = arith.constant dense<0.000000e+00> : vector<2048x256xf32>
    %dot_general3A_12 = tpu.matmul %add3A, %get3A_11, %dot_general3A {dimension_numbers = #tpu.dot_dimension_numbers<[1], [0], [0], [1], [0, 0, 1, 1], [], []>, transpose_lhs_hint = false} : vector<2048x128xf32>, vector<128x256xf32>, vector<2048x256xf32> -> vector<2048x256xf32>
    %get3A_13 = arith.constant 0 : index
    %get3A_14 = arith.constant 0 : index
    %get3A_15 = vector.load %arg3[%get3A_13, %get3A_14] : memref<1x256xf32, #tpu.memory_space<vmem>>, vector<1x256xf32>
    %add3A_16 = vector.broadcast %get3A_15 : vector<1x256xf32> to vector<2048x256xf32>
    %add3A_17 = arith.addf %dot_general3A_12, %add3A_16 : vector<2048x256xf32>
    %max3A = arith.constant 0.000000e+00 : f32
    %max3A_18 = vector.broadcast %max3A : f32 to vector<2048x256xf32>
    %max3A_19 = arith.maximumf %add3A_17, %max3A_18 : vector<2048x256xf32>
    %get3A_20 = arith.constant 0 : index
    %get3A_21 = arith.constant 0 : index
    %get3A_22 = vector.load %arg4[%get3A_20, %get3A_21] : memref<256x128xf32, #tpu.memory_space<vmem>>, vector<256x128xf32>
    %dot_general3A_23 = arith.constant dense<0.000000e+00> : vector<2048x128xf32>
    %dot_general3A_24 = tpu.matmul %max3A_19, %get3A_22, %dot_general3A_23 {dimension_numbers = #tpu.dot_dimension_numbers<[1], [0], [0], [1], [0, 0, 1, 1], [], []>, transpose_lhs_hint = false} : vector<2048x256xf32>, vector<256x128xf32>, vector<2048x128xf32> -> vector<2048x128xf32>
    %swap3A = arith.constant 0 : index
    %swap3A_25 = arith.constant 0 : index
    %swap3A_26 = vector.load %arg5[%swap3A, %swap3A_25] : memref<2048x128xf32, #tpu.memory_space<vmem>>, vector<2048x128xf32>
    tpu.vector_store %arg5[%swap3A, %swap3A_25], %dot_general3A_24 {strides = array<i32>} : memref<2048x128xf32, #tpu.memory_space<vmem>>, vector<2048x128xf32>,
    return
  }
  func.func @transform_0(%arg0: i32) -> (i32, i32, i32) {
    %c0_i32 = arith.constant 0 : i32
    %c0_i32_0 = arith.constant 0 : i32
    %c0_i32_1 = arith.constant 0 : i32
    return %c0_i32, %arg0, %c0_i32_0 : i32, i32, i32
  }
  func.func @transform_1(%arg0: i32) -> (i32, i32) {
    %c0_i32 = arith.constant 0 : i32
    %c0_i32_0 = arith.constant 0 : i32
    %c0_i32_1 = arith.constant 0 : i32
    return %c0_i32, %c0_i32_0 : i32, i32
  }
  func.func @transform_2(%arg0: i32) -> (i32, i32) {
    %c0_i32 = arith.constant 0 : i32
    %c0_i32_0 = arith.constant 0 : i32
    %c0_i32_1 = arith.constant 0 : i32
    return %c0_i32, %c0_i32_0 : i32, i32
  }
  func.func @transform_3(%arg0: i32) -> (i32, i32) {
    %c0_i32 = arith.constant 0 : i32
    %c0_i32_0 = arith.constant 0 : i32
    %c0_i32_1 = arith.constant 0 : i32
    return %c0_i32, %c0_i32_0 : i32, i32
  }
  func.func @transform_4(%arg0: i32) -> (i32, i32) {
    %c0_i32 = arith.constant 0 : i32
    %c0_i32_0 = arith.constant 0 : i32
    return %arg0, %c0_i32 : i32, i32
  }
}

module attributes {stable_mosaic.version = 14 : i64} {
  func.func @_fin_body(%arg0: i32, %arg1: memref<2x2048x128xf32, #tpu.memory_space<vmem>>, %arg2: memref<1x128xf32, #tpu.memory_space<vmem>>, %arg3: memref<128x128xf32, #tpu.memory_space<vmem>>, %arg4: memref<1x1xf32, #tpu.memory_space<vmem>>, %arg5: memref<2048x1xf32, #tpu.memory_space<vmem>>) attributes {dimension_semantics = [#tpu.dimension_semantics<arbitrary>], iteration_bounds = array<i64: 5>, scalar_prefetch = 0 : i64, scratch_operands = 0 : i64, tpu.core_type = #tpu.core_type<tc>, window_params = [{transform_indices = @transform_0, window_bounds = array<i64: 2, 2048, 128>}, {pipeline_mode = #tpu.pipeline_mode<synchronous>, transform_indices = @transform_1, window_bounds = array<i64: 1, 128>}, {pipeline_mode = #tpu.pipeline_mode<synchronous>, transform_indices = @transform_2, window_bounds = array<i64: 128, 128>}, {pipeline_mode = #tpu.pipeline_mode<synchronous>, transform_indices = @transform_3, window_bounds = array<i64: 1, 1>}, {transform_indices = @transform_4, window_bounds = array<i64: 2048, 1>}]} {
    %get3A = arith.constant 0 : index
    %get3A_0 = arith.constant 0 : index
    %get3A_1 = arith.constant 0 : index
    %get3A_2 = vector.load %arg1[%get3A, %get3A_0, %get3A_1] : memref<2x2048x128xf32, #tpu.memory_space<vmem>>, vector<1x2048x128xf32>
    %get3A_3 = vector.shape_cast %get3A_2 : vector<1x2048x128xf32> to vector<2048x128xf32>
    %get3A_4 = arith.constant 1 : index
    %get3A_5 = arith.constant 0 : index
    %get3A_6 = arith.constant 0 : index
    %get3A_7 = vector.load %arg1[%get3A_4, %get3A_5, %get3A_6] : memref<2x2048x128xf32, #tpu.memory_space<vmem>>, vector<1x2048x128xf32>
    %get3A_8 = vector.shape_cast %get3A_7 : vector<1x2048x128xf32> to vector<2048x128xf32>
    %add3A = arith.addf %get3A_3, %get3A_8 : vector<2048x128xf32>
    %get3A_9 = arith.constant 0 : index
    %get3A_10 = arith.constant 0 : index
    %get3A_11 = vector.load %arg2[%get3A_9, %get3A_10] : memref<1x128xf32, #tpu.memory_space<vmem>>, vector<1x128xf32>
    %add3A_12 = vector.broadcast %get3A_11 : vector<1x128xf32> to vector<2048x128xf32>
    %add3A_13 = arith.addf %add3A, %add3A_12 : vector<2048x128xf32>
    %max3A = arith.constant 0.000000e+00 : f32
    %max3A_14 = vector.broadcast %max3A : f32 to vector<2048x128xf32>
    %max3A_15 = arith.maximumf %add3A_13, %max3A_14 : vector<2048x128xf32>
    %get3A_16 = arith.constant 0 : index
    %get3A_17 = arith.constant 0 : index
    %get3A_18 = vector.load %arg3[%get3A_16, %get3A_17] : memref<128x128xf32, #tpu.memory_space<vmem>>, vector<128x128xf32>
    %dot_general3A = arith.constant dense<0.000000e+00> : vector<2048x128xf32>
    %dot_general3A_19 = tpu.matmul %max3A_15, %get3A_18, %dot_general3A {dimension_numbers = #tpu.dot_dimension_numbers<[1], [0], [0], [1], [0, 0, 1, 1], [], []>, transpose_lhs_hint = false} : vector<2048x128xf32>, vector<128x128xf32>, vector<2048x128xf32> -> vector<2048x128xf32>
    %slice3A = vector.extract_strided_slice %dot_general3A_19 {offsets = [0, 0], sizes = [2048, 1], strides = [1, 1]} : vector<2048x128xf32> to vector<2048x1xf32>
    %get3A_20 = arith.constant 0 : index
    %get3A_21 = arith.constant 0 : index
    %get3A_22 = vector.load %arg4[%get3A_20, %get3A_21] : memref<1x1xf32, #tpu.memory_space<vmem>>, vector<1x1xf32>
    %add3A_23 = vector.broadcast %get3A_22 : vector<1x1xf32> to vector<2048x1xf32>
    %add3A_24 = arith.addf %slice3A, %add3A_23 : vector<2048x1xf32>
    %swap3A = arith.constant 0 : index
    %swap3A_25 = arith.constant 0 : index
    %swap3A_26 = vector.load %arg5[%swap3A, %swap3A_25] : memref<2048x1xf32, #tpu.memory_space<vmem>>, vector<2048x1xf32>
    tpu.vector_store %arg5[%swap3A, %swap3A_25], %add3A_24 {strides = array<i32>} : memref<2048x1xf32, #tpu.memory_space<vmem>>, vector<2048x1xf32>,
    return
  }
  func.func @transform_0(%arg0: i32) -> (i32, i32, i32) {
    %c0_i32 = arith.constant 0 : i32
    %c0_i32_0 = arith.constant 0 : i32
    %c0_i32_1 = arith.constant 0 : i32
    return %c0_i32, %arg0, %c0_i32_0 : i32, i32, i32
  }
  func.func @transform_1(%arg0: i32) -> (i32, i32) {
    %c0_i32 = arith.constant 0 : i32
    %c0_i32_0 = arith.constant 0 : i32
    %c0_i32_1 = arith.constant 0 : i32
    return %c0_i32, %c0_i32_0 : i32, i32
  }
  func.func @transform_2(%arg0: i32) -> (i32, i32) {
    %c0_i32 = arith.constant 0 : i32
    %c0_i32_0 = arith.constant 0 : i32
    %c0_i32_1 = arith.constant 0 : i32
    return %c0_i32, %c0_i32_0 : i32, i32
  }
  func.func @transform_3(%arg0: i32) -> (i32, i32) {
    %c0_i32 = arith.constant 0 : i32
    %c0_i32_0 = arith.constant 0 : i32
    %c0_i32_1 = arith.constant 0 : i32
    return %c0_i32, %c0_i32_0 : i32, i32
  }
  func.func @transform_4(%arg0: i32) -> (i32, i32) {
    %c0_i32 = arith.constant 0 : i32
    %c0_i32_0 = arith.constant 0 : i32
    return %arg0, %c0_i32 : i32, i32
  }
}

</mosaic_0001>

<sc_bundles>
// kernel: kernel.6.cloned.1.call-start
scs
__scs_entry_jumppad:
0x0: {  	(pc) =	sbr.rel $0x88, $3  }
0x1: {  	(tag) =	ssettag $0x0;
	lr =	simm.s32 $0x1  }
0x2: {  	[smem:$0x3F99] =	sst lr;
	_ =	strace $0xD0000000  }
0x3: {  	_ = 	snop  }
0x4: {  	_ = 	snop  }
0x5: {  	_ = 	snop  }
0x6: {  	_ = 	snop  }
0x7: {  	_ = 	snop  }
__scs_overlays_trampoline_lowered:
0x8: {  	[smem:$0x3FA8] =	sst s0  }
0x9: {  	[smem:$0x3FA9] =	sst s1  }
0xa: {  	[smem:$0x3FAA] =	sst s2  }
0xb: {  	[smem:$0x3FAB] =	sst s3  }
0xc: {  	[smem:$0x3FAC] =	sst s4  }
0xd: {  	[smem:$0x3FAD] =	sst s5  }
0xe: {  	[smem:$0x3FAE] =	sst s6  }
0xf: {  	[smem:$0x3FAF] =	sst s7  }
0x10: {  	[smem:$0x3FB0] =	sst s8  }
0x11: {  	[smem:$0x3FB1] =	sst s9;
	s0 =	simm.s32 @!p0 $0x0  }
0x12: {  	s1 =	sld [smem:$0x3F97];
	s0 =	simm.s32 @p0 $0x1  }
0x13: {  	[smem:$0x3FB2] =	sst s0;
	s0 =	simm.s32 @!p1 $0x0  }
0x14: {  	s2 =	sld [smem:$0x3F96];
	s0 =	simm.s32 @p1 $0x1  }
0x15: {  	[smem:$0x3FB3] =	sst s0;
	s0 =	simm.s32 @!p2 $0x0  }
0x16: {  	s3 =	sld [smem:$0x3FDB];
	s0 =	simm.s32 @p2 $0x1  }
0x17: {  	s4 =	simm.s32 $0x1BF5;
	[smem:$0x3FB5] =	sst s0  }
0x18: {  	s0 =	sld [smem:$0x3F98];
	_ =	swait.ge [sflag:s4], $0x0  }
0x19: {  	s7 =	sld [smem:$0x3F99]  }
0x1a: {  	s8 =	sadd.s32 $0xFFFFE003, lr  }
0x1b: {  	s9 =	sadd.s32 $0xFFFFFEF7, lr;
	s5 =	simm.s32 $0xFFFFFFFF;
	p2 =	slt.u32 s8, $0xFFFFF086  }
0x1c: {  	p1 =	slt.u32 s9, $0xF7A;
	s5 =	simm.s32 @!p2 $0x0  }
0x1d: {  	s5 =	simm.s32 @p1 $0x1;
	p0 =	seq.s32 s7, s2  }
0x1e: {  	s7 =	smul.u32 @!p0 $0xF7A, s2;
	p2 =	seq.s32 @!p0 s5, $0x0  }
0x1f: {  	s9 =	smul.u32 $0xF7A, s1;
	s8 =	simm.s32 @!p0 $0x1BF5;
	p2 =	por !p2, p0  }
0x20: {  	[sflag:s8] =	ssyncset.s32 @!p0 $0xFFFFF086;
	s6 =	sadd.s32 @!p0 s3, s7;
	s7 =	simm.s32 @!p0 $0x108  }
0x21: {  	s3 =	sadd.s32 s3, s9;
	s6 =	sadd.s32 @!p0 $0x88, s6;
	s7 =	simm.s32 @p2 $0x1082  }
0x22: {  	[simem:s7], [sflag:s8] =	dma.local @!p0 [hbm:s6], $0xF7A  }
0x23: {  	s9 =	sor.u32 $0xD0000000, s2;
	s6 =	simm.s32 $0x108;
	_ =	swait.ge @!p0 [sflag:s8], $0x0  }
0x24: {  	s3 =	sadd.s32 $0x88, s3;
	s6 =	simm.s32 @!p1 $0x1082;
	[sflag:s4] =	ssyncset.s32 $0xFFFFF086  }
0x25: {  	[simem:s6], [sflag:s4] =	dma.local [hbm:s3], $0xF7A  }
0x26: {  	[smem:$0x3F99] =	sst s1;
	(tag) =	ssettag s2;
	_ =	strace s9  }
0x27: {  	s1 =	sld [smem:$0x3FA9]  }
0x28: {  	s2 =	sld [smem:$0x3FAA]  }
0x29: {  	s4 =	sld [smem:$0x3FAC]  }
0x2a: {  	p0 =	seq.s32 s5, $0x0;
	s5 =	sld [smem:$0x3FAD]  }
0x2b: {  	s6 =	sld [smem:$0x3FAE]  }
0x2c: {  	s7 =	sld [smem:$0x3FAF]  }
0x2d: {  	s3 =	simm.s32 $0x108;
	s8 =	sld [smem:$0x3FB0]  }
0x2e: {  	s3 =	simm.s32 @!p0 $0x1082;
	s9 =	sld [smem:$0x3FB1]  }
0x2f: {  	lr =	sadd.s32 s0, s3;
	s0 =	sld [smem:$0x3FA8]  }
0x30: {  	s3 =	sld [smem:$0x3FAB]  }
0x31: {  	[smem:$0x3FB4] =	sst s10  }
0x32: {  	s10 =	sld [smem:$0x3FB2];
	_ =	sdelay $0x3  }
0x33: {  	p0 =	seq.s32 s10, $0x1;
	s10 =	sld [smem:$0x3FB4];
	_ =	sdelay $0x3  }
0x34: {  	[smem:$0x3FB4] =	sst s10  }
0x35: {  	s10 =	sld [smem:$0x3FB3];
	_ =	sdelay $0x3  }
0x36: {  	p1 =	seq.s32 s10, $0x1;
	s10 =	sld [smem:$0x3FB4];
	_ =	sdelay $0x3  }
0x37: {  	[smem:$0x3FB4] =	sst s10  }
0x38: {  	s10 =	sld [smem:$0x3FB5]  }
0x39: {  	_ = 	snop;
	(pc) =	sbr.ind lr, $3  }
0x3a: {  	_ = 	snop  }
0x3b: {  	_ = 	snop  }
0x3c: {  	p2 =	seq.s32 s10, $0x1;
	s10 =	sld [smem:$0x3FB4]  }
0x3d: {  	_ =	shalt  }
0x3e: {  	_ =	shalt  }
0x3f: {  	_ =	shalt  }
0x40: {  	_ =	shalt  }
0x41: {  	_ =	shalt  }
0x42: {  	_ =	shalt  }
0x43: {  	_ =	shalt  }
0x44: {  	_ =	shalt  }
0x45: {  	_ =	shalt  }
0x46: {  	_ =	shalt  }
0x47: {  	_ =	shalt  }
0x48: {  	_ =	shalt  }
0x49: {  	_ =	shalt  }
0x4a: {  	_ =	shalt  }
0x4b: {  	_ =	shalt  }
0x4c: {  	_ =	shalt  }
0x4d: {  	_ =	shalt  }
0x4e: {  	_ =	shalt  }
0x4f: {  	_ =	shalt  }
0x50: {  	_ =	shalt  }
0x51: {  	_ =	shalt  }
0x52: {  	_ =	shalt  }
0x53: {  	_ =	shalt  }
0x54: {  	_ =	shalt  }
0x55: {  	_ =	shalt  }
0x56: {  	_ =	shalt  }
0x57: {  	_ =	shalt  }
0x58: {  	_ =	shalt  }
0x59: {  	_ =	shalt  }
0x5a: {  	_ =	shalt  }
0x5b: {  	_ =	shalt  }
0x5c: {  	_ =	shalt  }
0x5d: {  	_ =	shalt  }
0x5e: {  	_ =	shalt  }
0x5f: {  	_ =	shalt  }
0x60: {  	_ =	shalt  }
0x61: {  	_ =	shalt  }
0x62: {  	_ =	shalt  }
0x63: {  	_ =	shalt  }
0x64: {  	_ =	shalt  }
0x65: {  	_ =	shalt  }
0x66: {  	_ =	shalt  }
0x67: {  	_ =	shalt  }
0x68: {  	_ =	shalt  }
0x69: {  	_ =	shalt  }
0x6a: {  	_ =	shalt  }
0x6b: {  	_ =	shalt  }
0x6c: {  	_ =	shalt  }
0x6d: {  	_ =	shalt  }
0x6e: {  	_ =	shalt  }
0x6f: {  	_ =	shalt  }
0x70: {  	_ =	shalt  }
0x71: {  	_ =	shalt  }
0x72: {  	_ =	shalt  }
0x73: {  	_ =	shalt  }
0x74: {  	_ =	shalt  }
0x75: {  	_ =	shalt  }
0x76: {  	_ =	shalt  }
0x77: {  	_ =	shalt  }
0x78: {  	_ =	shalt  }
0x79: {  	_ =	shalt  }
0x7a: {  	_ =	shalt  }
0x7b: {  	_ =	shalt  }
0x7c: {  	_ =	shalt  }
0x7d: {  	_ =	shalt  }
0x7e: {  	_ =	shalt  }
0x7f: {  	_ =	shalt  }
0x80: {  	_ =	shalt  }
0x81: {  	_ =	shalt  }
0x82: {  	_ =	shalt  }
0x83: {  	_ =	shalt  }
0x84: {  	_ =	shalt  }
0x85: {  	_ =	shalt  }
0x86: {  	_ =	shalt  }
0x87: {  	_ =	shalt  }
.Lfunc_end0:
.L_simem_size_0:
called_computation_lowered:
.L_overlay_start_0:
0x88: {  	s2 =	sld [smem:$0x3FD9]  }
0x89: {  	s3 =	sld [smem:$0x3FFE];
	_ =	sdelay $0x1  }
0x8a: {  	s1 =	srdreg.scid  }
0x8b: {  	s0 =	sand.u32 $0x1, s1  }
0x8c: {  	s17 =	sshll.u32 s0, $0xA;
	s2 =	sadd.s32 s3, s2  }
0x8d: {  	s2 =	sadd.s32 s2, s17  }
0x8e: {  	[smem:$0x3FC0] =	sst s2  }
0x8f: {  	_ = 	snop  }
0x90: {  	s2 =	sld [smem:$0x3FC9];
	(tm) =	ssettm $0x1  }
0x91: {  	s18 =	sld [smem:$0x3FFB];
	_ =	sdelay $0x3  }
0x92: {  	_ =	strace s18  }
0x93: {  	s3 =	sld [smem:$0x3FFC];
	_ =	sdelay $0x3  }
0x94: {  	_ =	strace s3  }
0x95: {  	s3 =	sld [smem:$0x3FFD];
	_ =	sdelay $0x3  }
0x96: {  	_ =	strace s3  }
0x97: {  	_ =	strace $0x8FFFFFFF  }
0x98: {  	s19 =	sld [smem:$0x3FDB];
	_ =	sdelay $0x1  }
0x99: {  	s4 =	simm.s32 $_scs_section_size  }
0x9a: {  	s5 =	simm.s32 $_size__tile_overlayer_lowered;
	s6 =	simm.s32 $_tile_overlayer_lowered  }
0x9b: {  	s22 =	simm.s32 $0x1BFF;
	s21 =	sshll.u32 s6, $0x1;
	s3 =	sadd.s32 s4, s19  }
0x9c: {  	s7 =	simm.s32 $0x0;
	s20 =	sshll.u32 s5, $0x1;
	s5 =	sadd.s32 s21, s3  }
0x9d: {  	[timem:s7], [sflag:s22] =	dma.local [hbm:s5], s20  }
0x9e: {  	_ =	swait.ge [sflag:s22], s20  }
0x9f: {  	s4 =	ssub.s32 $0x0, s20;
	[sflag:s22] =	ssyncset.done $0x0  }
0xa0: {  	[sflag:s22] =	ssyncadd.s32 s4;
	_ =	sdelay $0x1  }
0xa1: {  	s23 =	simm.s32 $0x1B8B  }
0xa2: {  	_ =	swait.ge [sflag:s23], $0x1  }
0xa3: {  	[sflag:s23] =	ssyncset.done $0x0  }
0xa4: {  	s25 =	simm.s32 $0x1B8E;
	s24 =	sld [smem:$0x3FFE];
	[sflag:s23] =	ssyncadd.s32 $0xFFFFFFFF  }
0xa5: {  	s26 =	simm.s32 $execute0_lowered;
	[smem:$0x3FD2] =	sst s25  }
0xa6: {  	s5 =	sshll.u32 s26, $0x1;
	_ =	strace $0x80000046;
	[dreg:$0x1] =	wrdreg $0xFFFFFFFF  }
0xa7: {  	s28 =	simm.s32 $_size_execute0_lowered;
	s3 =	sadd.s32 s3, s5;
	[dreg:$0x0] =	wrdreg $0x0  }
0xa8: {  	s5 =	sshll.u32 s28, $0x1;
	[dreg:$0x2] =	wrdreg s3  }
0xa9: {  	[dreg:$0x3] =	wrdreg s5  }
0xaa: {  	[dreg:$0x4] =	wrdreg $0xC0  }
0xab: {  	_ =	task [dreg:s7], $0x5FFFF  }
0xac: {  	[dreg:$0x1] =	wrdreg $0xFFFFFFFF  }
0xad: {  	[dreg:$0x0] =	wrdreg $0x60  }
0xae: {  	[dreg:$0x2] =	wrdreg s2  }
0xaf: {  	[dreg:$0x3] =	wrdreg s24  }
0xb0: {  	[dreg:$0x4] =	wrdreg $0xBC000  }
0xb1: {  	[dreg:$0x5] =	wrdreg $0x9  }
0xb2: {  	_ =	task.clear_ibuf [dreg:s7], $0x6FFFF;
	_ =	strace $0x90000046  }
0xb3: {  	s29 =	simm.s32 $0x9;
	_ =	strace $0x80000048  }
0xb4: {  	_ =	swait.ge [sflag:s29], $0x1  }
0xb5: {  	[sflag:s29] =	ssyncadd.s32 $0xFFFFFFFF  }
0xb6: {  	_ =	strace $0x90000048  }
0xb7: {  	_ =	sfence  }
0xb8: {  	s30 =	sld [smem:$0x0];
	_ =	sdelay $0x2  }
0xb9: {  	s31 =	sshll.u32 s1, $0xD;
	s1 =	sshrl.u32 s1, $0x2  }
0xba: {  	s3 =	sand.u32 $0x4000, s31;
	s1 =	sadd.s32 s1, s30  }
0xbb: {  	s0 =	sor.u32 s3, s0;
	s1 =	sshll.u32 s1, $0x11  }
0xbc: {  	s0 =	sor.u32 s1, s0  }
0xbd: {  	s0 =	sadd.s32 $0x8F2B, s0  }
0xbe: {  	[sflag:s0] =	ssyncadd.remote.s32 $0x1  }
0xbf: {  	_ =	sfence.sel $0xFFFF  }
0xc0: {  	[dreg:$0x0] =	wrdreg $0xFFFFFFFF;
	(pc) =	sbr.abs _section_cstart, $3  }
0xc1: {  	[dreg:$0x1] =	wrdreg $0xFFFFFFFF  }
0xc2: {  	_ =	task.clear_ibuf [dreg:s7], $0x2FFFF;
	_ =	strace $0x9FFFFFFF  }
0xc3: {  	(tm) =	ssettm $0x7FFFFFFF  }
tec
execute0_lowered:
.L_overlay_start_1:
0x0: {  	(tag) =	ssettag $0x1  }
0x1: {  	s1 =	rddreg [dreg:$0x0]  }
0x2: {  	s5 =	rddreg [dreg:$0x1]  }
0x3: {  	s2 =	rddreg [dreg:$0x2]  }
0x4: {  	s0 =	rddreg [dreg:$0x3];
	s4 =	simm.s32 $0x0;
	s3 =	srdreg.scid  }
0x5: {  	s15 =	simm.s32 $0x180;
	s16 =	simm.s32 $0x170;
	s17 =	simm.s32 $0x1  }
0x6: {  	s18 =	simm.s32 $0x300;
	s19 =	simm.s32 $0x380;
	s6 =	sand.u32 $0x1, s3  }
0x7: {  	s20 =	simm.s32 $0x40;
	s3 =	stileid.u32;
	s7 =	smul.u32 $0x140000, s6  }
0x8: {  	s21 =	simm.s32 $0x0;
	[smem:$0x7FF] =	sst s4;
	s8 =	smul.u32 $0x14000, s3  }
0x9: {  	s12 =	sadd.s32 $0xAE00, s5;
	s11 =	sadd.s32 $0x1000, s5;
	s26 =	smul.u32 $0x50000, s3  }
0xa: {  	_ =	strace $0x80000047;
	s9 =	sshll.u32 s3, $0x1;
	s14 =	smul.u32 $0x4E20, s3  }
0xb: {  	s10 =	ssub.s32 $0x2, s6;
	s30 =	smul.u32 $0x2710, s6;
	s25 =	sor.u32 s6, s9  }
0xc: {  	s28 =	sshrl.u32 s10, $0x1;
	s7 =	sadd.s32 s8, s7;
	s8 =	smul.u32 $0x2710, s25  }
0xd: {  	s29 =	sshrl.u32 s26, $0x2;
	s10 =	ssub.s32 s10, s28;
	s14 =	sadd.s32 s30, s14  }
0xe: {  	s7 =	sshrl.u32 s7, $0x3;
	s31 =	sshrl.u32 s14, $0x3;
	s10 =	smax.u32 s10, $0x1  }
0xf: {  	s13 =	sadd.s32 s7, s5;
	s8 =	sshrl.u32 s8, $0x3;
	s5 =	sadd.s32 s29, s2  }
0x10: {  	s14 =	simm.s32 $0x2;
	s8 =	sadd.s32 $0x4DA, s8;
	s6 =	sadd.s32 $0xA000, s5  }
0x11: {  	s9 =	sadd.s32 $0x14C00, s13;
	s13 =	simm.s32 $0x400;
	s7 =	sadd.s32 s12, s8  }
0x12: {  	v0 =	vimm.f32 $0.0e+00;
	s8 =	sadd.s32 s11, s8;
	s11 =	sadd.s32 s31, s11;
	s12 =	sadd.s32 s31, s12  }
.LBB2_1:
0x13: {  	s22 =	simm.s32 $0x0;
	s23 =	simm.s32 $0x200  }
.LBB2_2:
0x14: {  	p0 =	sne.s32 s23, $0x27E00;
	[tilespmem:s22+$0x470] =	vst v0  }
0x15: {  	[tilespmem:s22+$0x400] =	vst v0  }
0x16: {  	[tilespmem:s22+$0x410] =	vst v0  }
.Ltmp0:
0x17: {  	[tilespmem:s22+$0x420] =	vst v0;
	(pc) =	sbr.rel @p0 .LBB2_2-.Ltmp0, $4  }
0x18: {  	[tilespmem:s22+$0x430] =	vst v0  }
0x19: {  	[tilespmem:s22+$0x440] =	vst v0  }
0x1a: {  	[tilespmem:s22+$0x450] =	vst v0  }
0x1b: {  	[tilespmem:s22+$0x460] =	vst v0;
	s22 =	sshra.s32 s23, $0x2;
	s23 =	sadd.s32 $0x200, s23  }
0x1c: {  	[tilespmem:s22+$0x470] =	vst v0  }
0x1d: {  	[tilespmem:s22+$0x400] =	vst v0  }
0x1e: {  	[tilespmem:s22+$0x410] =	vst v0  }
0x1f: {  	[tilespmem:s22+$0x420] =	vst v0  }
0x20: {  	[tilespmem:s22+$0x430] =	vst v0  }
0x21: {  	[tilespmem:s22+$0x440] =	vst v0  }
0x22: {  	[tilespmem:s22+$0x450] =	vst v0  }
0x23: {  	[tilespmem:s22+$0x460] =	vst v0  }
0x24: {  	[spmem:s5] =	stream.linear.scatter [tilespmem:s13], [sflag:$0x2], $0xA000, $0x38;
	[tilespmem:$0x1FC00] =	vst v63  }
0x25: {  	_ =	swait.ge [sflag:s14], $0xA000  }
0x26: {  	[sflag:s14] =	ssyncset.done $0x0  }
0x27: {  	[sflag:s14] =	ssyncadd.s32 $0xFFFF6000  }
0x28: {  	[spmem:s6] =	stream.linear.scatter [tilespmem:s13], [sflag:$0x2], $0xA000, $0x38;
	[tilespmem:$0x1FC00] =	vst v63  }
0x29: {  	_ =	swait.ge [sflag:s14], $0xA000  }
0x2a: {  	[sflag:s14] =	ssyncset.done $0x0  }
0x2b: {  	[sflag:s14] =	ssyncadd.s32 $0xFFFF6000  }
0x2c: {  	s30 =	sadd.s32 $0x0, s12;
	[bflag:$0x0] =	sbarrier.arrive $0xFFFF  }
0x2d: {  	[tilespmem:s4], [sflag:$0x2] =	stream.linear.gather [hbm4b:s30+s4], $0x170, $0x38;
	[tilespmem:$0x1FC00] =	vst v63  }
0x2e: {  	_ =	swait.ge [sflag:s14], $0x170  }
0x2f: {  	[sflag:s14] =	ssyncset.done $0x0  }
0x30: {  	s31 =	sadd.s32 $0x0, s11;
	[sflag:s14] =	ssyncadd.s32 $0xFFFFFE90  }
0x31: {  	[tilespmem:s15], [sflag:$0x2] =	stream.linear.gather [hbm4b:s31+s4], $0x170, $0x38;
	[tilespmem:$0x1FC00] =	vst v63  }
0x32: {  	_ =	swait.ge [sflag:s14], $0x170  }
0x33: {  	[sflag:s14] =	ssyncset.done $0x0  }
0x34: {  	[sflag:s14] =	ssyncadd.s32 $0xFFFFFE90  }
0x35: {  	[tilespmem:s13], [sflag:$0x1] =	stream.indirect.gather [hbm4b:s1+s16], $0x80, s4, s16, $0xb8;
	[tilespmem:$0x1FC00] =	vst v63  }
0x36: {  	_ =	swait.ge [sflag:s17], $0xB800  }
0x37: {  	[sflag:s17] =	ssyncset.done $0x0  }
0x38: {  	[sflag:s17] =	ssyncadd.s32 $0xFFFF4800  }
0x39: {  	[spmem:s2] =	stream.indirect.scatter.add.f32 [tilespmem:s13], [sflag:$0x2], $0x80, s15, s16, $0xb8;
	[tilespmem:$0x1FC00] =	vst v63  }
0x3a: {  	_ =	swait.ge [sflag:s14], $0xB800  }
0x3b: {  	s22 =	simm.s32 $0x2E;
	s23 =	simm.s32 $0x5C;
	[sflag:s14] =	ssyncset.done $0x0  }
.LBB2_4:
0x3c: {  	s24 =	sadd.s32 s22, s12  }
0x3d: {  	[sflag:s14] =	ssyncadd.s32 $0xFFFF4800;
	s25 =	smov.u32 s23;
	s26 =	sadd.s32 $0x2E, s23  }
0x3e: {  	[tilespmem:s4], [sflag:$0x2] =	stream.linear.gather [hbm4b:s24+s4], $0x170, $0x38;
	[tilespmem:$0x1FC00] =	vst v63  }
0x3f: {  	p0 =	sne.s32 s23, $0x4AC;
	_ =	swait.ge [sflag:s14], $0x170  }
0x40: {  	[sflag:s14] =	ssyncset.done $0x0  }
0x41: {  	s23 =	sadd.s32 s22, s11;
	s22 =	smov.u32 s25;
	[sflag:s14] =	ssyncadd.s32 $0xFFFFFE90  }
0x42: {  	[tilespmem:s15], [sflag:$0x2] =	stream.linear.gather [hbm4b:s23+s4], $0x170, $0x38;
	[tilespmem:$0x1FC00] =	vst v63  }
0x43: {  	_ =	swait.ge [sflag:s14], $0x170  }
0x44: {  	[sflag:s14] =	ssyncset.done $0x0  }
0x45: {  	[sflag:s14] =	ssyncadd.s32 $0xFFFFFE90  }
0x46: {  	[tilespmem:s13], [sflag:$0x1] =	stream.indirect.gather [hbm4b:s1+s16], $0x80, s4, s16, $0xb8;
	[tilespmem:$0x1FC00] =	vst v63  }
0x47: {  	_ =	swait.ge [sflag:s17], $0xB800  }
.Ltmp1:
0x48: {  	[sflag:s17] =	ssyncset.done $0x0;
	(pc) =	sbr.rel @p0 .LBB2_4-.Ltmp1, $4  }
0x49: {  	[sflag:s17] =	ssyncadd.s32 $0xFFFF4800  }
0x4a: {  	[spmem:s2] =	stream.indirect.scatter.add.f32 [tilespmem:s13], [sflag:$0x2], $0x80, s15, s16, $0xb8;
	[tilespmem:$0x1FC00] =	vst v63  }
0x4b: {  	_ =	swait.ge [sflag:s14], $0xB800  }
0x4c: {  	s23 =	smov.u32 s26;
	[sflag:s14] =	ssyncset.done $0x0  }
0x4d: {  	s23 =	sadd.s32 s22, s12;
	[sflag:s14] =	ssyncadd.s32 $0xFFFF4800  }
0x4e: {  	[tilespmem:s4], [sflag:$0x2] =	stream.linear.gather [hbm4b:s23+s4], $0x170, $0x38;
	[tilespmem:$0x1FC00] =	vst v63  }
0x4f: {  	_ =	swait.ge [sflag:s14], $0x170  }
0x50: {  	[sflag:s14] =	ssyncset.done $0x0  }
0x51: {  	s29 =	sadd.s32 s22, s11;
	[sflag:s14] =	ssyncadd.s32 $0xFFFFFE90  }
0x52: {  	[tilespmem:s15], [sflag:$0x2] =	stream.linear.gather [hbm4b:s29+s4], $0x170, $0x38;
	[tilespmem:$0x1FC00] =	vst v63  }
0x53: {  	_ =	swait.ge [sflag:s14], $0x170  }
0x54: {  	[sflag:s14] =	ssyncset.done $0x0  }
0x55: {  	[sflag:s14] =	ssyncadd.s32 $0xFFFFFE90  }
0x56: {  	[tilespmem:s13], [sflag:$0x1] =	stream.indirect.gather [hbm4b:s1+s16], $0x80, s4, s16, $0xb8;
	[tilespmem:$0x1FC00] =	vst v63  }
0x57: {  	_ =	swait.ge [sflag:s17], $0xB800  }
0x58: {  	[sflag:s17] =	ssyncset.done $0x0  }
0x59: {  	[sflag:s17] =	ssyncadd.s32 $0xFFFF4800  }
0x5a: {  	[spmem:s2] =	stream.indirect.scatter.add.f32 [tilespmem:s13], [sflag:$0x2], $0x80, s15, s16, $0xb8;
	[tilespmem:$0x1FC00] =	vst v63  }
0x5b: {  	_ =	swait.ge [sflag:s14], $0xB800  }
0x5c: {  	[sflag:s14] =	ssyncset.done $0x0  }
0x5d: {  	[sflag:s14] =	ssyncadd.s32 $0xFFFF4800  }
0x5e: {  	[tilespmem:s18], [sflag:$0x2] =	stream.linear.gather [hbm4b:s7+s4], $0x40, $0x38;
	[tilespmem:$0x1FC00] =	vst v63  }
0x5f: {  	_ =	swait.ge [sflag:s14], $0x40  }
0x60: {  	[sflag:s14] =	ssyncset.done $0x0  }
0x61: {  	[sflag:s14] =	ssyncadd.s32 $0xFFFFFFC0  }
0x62: {  	[tilespmem:s19], [sflag:$0x2] =	stream.linear.gather [hbm4b:s8+s4], $0x40, $0x38;
	[tilespmem:$0x1FC00] =	vst v63  }
0x63: {  	_ =	swait.ge [sflag:s14], $0x40  }
0x64: {  	[sflag:s14] =	ssyncset.done $0x0  }
0x65: {  	[sflag:s14] =	ssyncadd.s32 $0xFFFFFFC0  }
0x66: {  	[tilespmem:s13], [sflag:$0x1] =	stream.indirect.gather [hbm4b:s1+s20], $0x80, s18, s20, $0xb8;
	[tilespmem:$0x1FC00] =	vst v63  }
0x67: {  	_ =	swait.ge [sflag:s17], $0x2000  }
0x68: {  	[sflag:s17] =	ssyncset.done $0x0  }
0x69: {  	[sflag:s17] =	ssyncadd.s32 $0xFFFFE000  }
0x6a: {  	[spmem:s2] =	stream.indirect.scatter.add.f32 [tilespmem:s13], [sflag:$0x2], $0x80, s19, s20, $0xb8;
	[tilespmem:$0x1FC00] =	vst v63  }
0x6b: {  	_ =	swait.ge [sflag:s14], $0x2000  }
0x6c: {  	s30 =	sshll.u32 s3, $0x6;
	s21 =	sadd.s32 $0x1, s21;
	[sflag:s14] =	ssyncset.done $0x0  }
0x6d: {  	s31 =	sshrl.u32 s5, $0x3;
	p0 =	sne.s32 s21, s10;
	[sflag:s14] =	ssyncadd.s32 $0xFFFFE000  }
.Ltmp2:
0x6e: {  	s22 =	sor.u32 $0x1C02, s30;
	[bflag:$0x0] =	sbarrier.arrive $0xFFFF;
	(pc) =	sbr.rel @p0 .LBB2_1-.Ltmp2, $4  }
0x6f: {  	[hbm:s9], [sflag:s22] =	dma.local [spmem:s31], $0x2800  }
0x70: {  	_ =	swait.ge [sflag:s14], $0x2800  }
0x71: {  	[sflag:s14] =	ssyncset.done $0x0  }
0x72: {  	[sflag:s14] =	ssyncadd.s32 $0xFFFFD800  }
0x73: {  	_ =	sfence.sel $0x180000  }
0x74: {  	[bflag:$0x0] =	sbarrier.arrive $0xFFFF  }
0x75: {  	p0 =	sne.s32 s3, $0x0;
	_ =	strace $0x90000047  }
0x76: {  	s0 =	sadd.s32 @!p0 $0x100000, s0;
	[bflag:$0x2] =	sbarrier.arrive $0xFFFF  }
0x77: {  	[sflag:s0] =	ssyncadd.tile.s32 @!p0 $0x1;
	_ =	shalt  }
.Lfunc_end2:
_tile_overlayer_lowered:
.L_overlay_start_2:
0x78: {  	(tag) =	ssettag $0x2  }
0x79: {  	s0 =	rddreg [dreg:$0x0];
	s2 =	stileid.u32  }
0x7a: {  	s1 =	rddreg [dreg:$0x1];
	p0 =	sne.s32 s2, $0x0  }
0x7b: {  	s3 =	rddreg [dreg:$0x2];
	[bflag:$0x3] =	sbarrier.arrive $0xFFFF;
	s2 =	simm.s32 @!p0 $0x1C02  }
0x7c: {  	[timem:s3], [sflag:s2] =	dma.local @!p0 [hbm:s0], s1  }
0x7d: {  	s0 =	simm.s32 @!p0 $0x2  }
0x7e: {  	_ =	swait.ge @!p0 [sflag:s0], s1  }
0x7f: {  	s1 =	ssub.s32 @!p0 $0x0, s1;
	[sflag:s0] =	ssyncset.done @!p0 $0x0  }
0x80: {  	[sflag:s0] =	ssyncadd.s32 @!p0 s1  }
0x81: {  	[bflag:$0x3] =	sbarrier.arrive $0xFFFF  }
0x82: {  	_ =	shalt  }

// kernel: kernel.9.cloned.1.call-start
scs
__scs_entry_jumppad:
0x0: {  	(pc) =	sbr.rel $0x88, $3  }
0x1: {  	(tag) =	ssettag $0x0;
	lr =	simm.s32 $0x1  }
0x2: {  	[smem:$0x3F99] =	sst lr;
	_ =	strace $0xD0000000  }
0x3: {  	_ = 	snop  }
0x4: {  	_ = 	snop  }
0x5: {  	_ = 	snop  }
0x6: {  	_ = 	snop  }
0x7: {  	_ = 	snop  }
__scs_overlays_trampoline_lowered:
0x8: {  	[smem:$0x3FA8] =	sst s0  }
0x9: {  	[smem:$0x3FA9] =	sst s1  }
0xa: {  	[smem:$0x3FAA] =	sst s2  }
0xb: {  	[smem:$0x3FAB] =	sst s3  }
0xc: {  	[smem:$0x3FAC] =	sst s4  }
0xd: {  	[smem:$0x3FAD] =	sst s5  }
0xe: {  	[smem:$0x3FAE] =	sst s6  }
0xf: {  	[smem:$0x3FAF] =	sst s7  }
0x10: {  	[smem:$0x3FB0] =	sst s8  }
0x11: {  	[smem:$0x3FB1] =	sst s9;
	s0 =	simm.s32 @!p0 $0x0  }
0x12: {  	s1 =	sld [smem:$0x3F97];
	s0 =	simm.s32 @p0 $0x1  }
0x13: {  	[smem:$0x3FB2] =	sst s0;
	s0 =	simm.s32 @!p1 $0x0  }
0x14: {  	s2 =	sld [smem:$0x3F96];
	s0 =	simm.s32 @p1 $0x1  }
0x15: {  	[smem:$0x3FB3] =	sst s0;
	s0 =	simm.s32 @!p2 $0x0  }
0x16: {  	s3 =	sld [smem:$0x3FDB];
	s0 =	simm.s32 @p2 $0x1  }
0x17: {  	s4 =	simm.s32 $0x1BF5;
	[smem:$0x3FB5] =	sst s0  }
0x18: {  	s0 =	sld [smem:$0x3F98];
	_ =	swait.ge [sflag:s4], $0x0  }
0x19: {  	s7 =	sld [smem:$0x3F99]  }
0x1a: {  	s8 =	sadd.s32 $0xFFFFE003, lr  }
0x1b: {  	s9 =	sadd.s32 $0xFFFFFEF7, lr;
	s5 =	simm.s32 $0xFFFFFFFF;
	p2 =	slt.u32 s8, $0xFFFFF086  }
0x1c: {  	p1 =	slt.u32 s9, $0xF7A;
	s5 =	simm.s32 @!p2 $0x0  }
0x1d: {  	s5 =	simm.s32 @p1 $0x1;
	p0 =	seq.s32 s7, s2  }
0x1e: {  	s7 =	smul.u32 @!p0 $0xF7A, s2;
	p2 =	seq.s32 @!p0 s5, $0x0  }
0x1f: {  	s9 =	smul.u32 $0xF7A, s1;
	s8 =	simm.s32 @!p0 $0x1BF5;
	p2 =	por !p2, p0  }
0x20: {  	[sflag:s8] =	ssyncset.s32 @!p0 $0xFFFFF086;
	s6 =	sadd.s32 @!p0 s3, s7;
	s7 =	simm.s32 @!p0 $0x108  }
0x21: {  	s3 =	sadd.s32 s3, s9;
	s6 =	sadd.s32 @!p0 $0x88, s6;
	s7 =	simm.s32 @p2 $0x1082  }
0x22: {  	[simem:s7], [sflag:s8] =	dma.local @!p0 [hbm:s6], $0xF7A  }
0x23: {  	s9 =	sor.u32 $0xD0000000, s2;
	s6 =	simm.s32 $0x108;
	_ =	swait.ge @!p0 [sflag:s8], $0x0  }
0x24: {  	s3 =	sadd.s32 $0x88, s3;
	s6 =	simm.s32 @!p1 $0x1082;
	[sflag:s4] =	ssyncset.s32 $0xFFFFF086  }
0x25: {  	[simem:s6], [sflag:s4] =	dma.local [hbm:s3], $0xF7A  }
0x26: {  	[smem:$0x3F99] =	sst s1;
	(tag) =	ssettag s2;
	_ =	strace s9  }
0x27: {  	s1 =	sld [smem:$0x3FA9]  }
0x28: {  	s2 =	sld [smem:$0x3FAA]  }
0x29: {  	s4 =	sld [smem:$0x3FAC]  }
0x2a: {  	p0 =	seq.s32 s5, $0x0;
	s5 =	sld [smem:$0x3FAD]  }
0x2b: {  	s6 =	sld [smem:$0x3FAE]  }
0x2c: {  	s7 =	sld [smem:$0x3FAF]  }
0x2d: {  	s3 =	simm.s32 $0x108;
	s8 =	sld [smem:$0x3FB0]  }
0x2e: {  	s3 =	simm.s32 @!p0 $0x1082;
	s9 =	sld [smem:$0x3FB1]  }
0x2f: {  	lr =	sadd.s32 s0, s3;
	s0 =	sld [smem:$0x3FA8]  }
0x30: {  	s3 =	sld [smem:$0x3FAB]  }
0x31: {  	[smem:$0x3FB4] =	sst s10  }
0x32: {  	s10 =	sld [smem:$0x3FB2];
	_ =	sdelay $0x3  }
0x33: {  	p0 =	seq.s32 s10, $0x1;
	s10 =	sld [smem:$0x3FB4];
	_ =	sdelay $0x3  }
0x34: {  	[smem:$0x3FB4] =	sst s10  }
0x35: {  	s10 =	sld [smem:$0x3FB3];
	_ =	sdelay $0x3  }
0x36: {  	p1 =	seq.s32 s10, $0x1;
	s10 =	sld [smem:$0x3FB4];
	_ =	sdelay $0x3  }
0x37: {  	[smem:$0x3FB4] =	sst s10  }
0x38: {  	s10 =	sld [smem:$0x3FB5]  }
0x39: {  	_ = 	snop;
	(pc) =	sbr.ind lr, $3  }
0x3a: {  	_ = 	snop  }
0x3b: {  	_ = 	snop  }
0x3c: {  	p2 =	seq.s32 s10, $0x1;
	s10 =	sld [smem:$0x3FB4]  }
0x3d: {  	_ =	shalt  }
0x3e: {  	_ =	shalt  }
0x3f: {  	_ =	shalt  }
0x40: {  	_ =	shalt  }
0x41: {  	_ =	shalt  }
0x42: {  	_ =	shalt  }
0x43: {  	_ =	shalt  }
0x44: {  	_ =	shalt  }
0x45: {  	_ =	shalt  }
0x46: {  	_ =	shalt  }
0x47: {  	_ =	shalt  }
0x48: {  	_ =	shalt  }
0x49: {  	_ =	shalt  }
0x4a: {  	_ =	shalt  }
0x4b: {  	_ =	shalt  }
0x4c: {  	_ =	shalt  }
0x4d: {  	_ =	shalt  }
0x4e: {  	_ =	shalt  }
0x4f: {  	_ =	shalt  }
0x50: {  	_ =	shalt  }
0x51: {  	_ =	shalt  }
0x52: {  	_ =	shalt  }
0x53: {  	_ =	shalt  }
0x54: {  	_ =	shalt  }
0x55: {  	_ =	shalt  }
0x56: {  	_ =	shalt  }
0x57: {  	_ =	shalt  }
0x58: {  	_ =	shalt  }
0x59: {  	_ =	shalt  }
0x5a: {  	_ =	shalt  }
0x5b: {  	_ =	shalt  }
0x5c: {  	_ =	shalt  }
0x5d: {  	_ =	shalt  }
0x5e: {  	_ =	shalt  }
0x5f: {  	_ =	shalt  }
0x60: {  	_ =	shalt  }
0x61: {  	_ =	shalt  }
0x62: {  	_ =	shalt  }
0x63: {  	_ =	shalt  }
0x64: {  	_ =	shalt  }
0x65: {  	_ =	shalt  }
0x66: {  	_ =	shalt  }
0x67: {  	_ =	shalt  }
0x68: {  	_ =	shalt  }
0x69: {  	_ =	shalt  }
0x6a: {  	_ =	shalt  }
0x6b: {  	_ =	shalt  }
0x6c: {  	_ =	shalt  }
0x6d: {  	_ =	shalt  }
0x6e: {  	_ =	shalt  }
0x6f: {  	_ =	shalt  }
0x70: {  	_ =	shalt  }
0x71: {  	_ =	shalt  }
0x72: {  	_ =	shalt  }
0x73: {  	_ =	shalt  }
0x74: {  	_ =	shalt  }
0x75: {  	_ =	shalt  }
0x76: {  	_ =	shalt  }
0x77: {  	_ =	shalt  }
0x78: {  	_ =	shalt  }
0x79: {  	_ =	shalt  }
0x7a: {  	_ =	shalt  }
0x7b: {  	_ =	shalt  }
0x7c: {  	_ =	shalt  }
0x7d: {  	_ =	shalt  }
0x7e: {  	_ =	shalt  }
0x7f: {  	_ =	shalt  }
0x80: {  	_ =	shalt  }
0x81: {  	_ =	shalt  }
0x82: {  	_ =	shalt  }
0x83: {  	_ =	shalt  }
0x84: {  	_ =	shalt  }
0x85: {  	_ =	shalt  }
0x86: {  	_ =	shalt  }
0x87: {  	_ =	shalt  }
.Lfunc_end0:
.L_simem_size_0:
called_computation.1_lowered:
.L_overlay_start_0:
0x88: {  	s2 =	sld [smem:$0x3FD9]  }
0x89: {  	s3 =	sld [smem:$0x3FFE];
	_ =	sdelay $0x1  }
0x8a: {  	s1 =	srdreg.scid  }
0x8b: {  	s0 =	sand.u32 $0x1, s1  }
0x8c: {  	s16 =	sshll.u32 s0, $0xA;
	s2 =	sadd.s32 s3, s2  }
0x8d: {  	s2 =	sadd.s32 s2, s16  }
0x8e: {  	[smem:$0x3FC0] =	sst s2  }
0x8f: {  	_ = 	snop  }
0x90: {  	(tm) =	ssettm $0x1  }
0x91: {  	s17 =	sld [smem:$0x3FFB];
	_ =	sdelay $0x3  }
0x92: {  	_ =	strace s17  }
0x93: {  	s2 =	sld [smem:$0x3FFC];
	_ =	sdelay $0x3  }
0x94: {  	_ =	strace s2  }
0x95: {  	s2 =	sld [smem:$0x3FFD];
	_ =	sdelay $0x3  }
0x96: {  	_ =	strace s2  }
0x97: {  	_ =	strace $0x8FFFFFFF  }
0x98: {  	s18 =	sld [smem:$0x3FDB];
	_ =	sdelay $0x1  }
0x99: {  	s19 =	simm.s32 $_scs_section_size  }
0x9a: {  	s4 =	simm.s32 $_size__tile_overlayer_lowered;
	s5 =	simm.s32 $_tile_overlayer_lowered  }
0x9b: {  	s22 =	simm.s32 $0x1BFF;
	s21 =	sshll.u32 s5, $0x1;
	s2 =	sadd.s32 s19, s18  }
0x9c: {  	s6 =	simm.s32 $0x0;
	s20 =	sshll.u32 s4, $0x1;
	s4 =	sadd.s32 s21, s2  }
0x9d: {  	[timem:s6], [sflag:s22] =	dma.local [hbm:s4], s20  }
0x9e: {  	_ =	swait.ge [sflag:s22], s20  }
0x9f: {  	s3 =	ssub.s32 $0x0, s20;
	[sflag:s22] =	ssyncset.done $0x0  }
0xa0: {  	[sflag:s22] =	ssyncadd.s32 s3;
	_ =	sdelay $0x1  }
0xa1: {  	s23 =	simm.s32 $0x1B8B  }
0xa2: {  	_ =	swait.ge [sflag:s23], $0x1  }
0xa3: {  	[sflag:s23] =	ssyncset.done $0x0  }
0xa4: {  	s25 =	simm.s32 $0x1B8E;
	s24 =	sld [smem:$0x3FFE];
	[sflag:s23] =	ssyncadd.s32 $0xFFFFFFFF  }
0xa5: {  	s26 =	simm.s32 $execute0_lowered;
	[smem:$0x3FD2] =	sst s25  }
0xa6: {  	s4 =	sshll.u32 s26, $0x1;
	_ =	strace $0x80000049;
	[dreg:$0x1] =	wrdreg $0xFFFFFFFF  }
0xa7: {  	s28 =	simm.s32 $_size_execute0_lowered;
	s2 =	sadd.s32 s2, s4;
	[dreg:$0x0] =	wrdreg $0x0  }
0xa8: {  	s4 =	sshll.u32 s28, $0x1;
	[dreg:$0x2] =	wrdreg s2  }
0xa9: {  	[dreg:$0x3] =	wrdreg s4  }
0xaa: {  	[dreg:$0x4] =	wrdreg $0xC0  }
0xab: {  	_ =	task [dreg:s6], $0x5FFFF  }
0xac: {  	[dreg:$0x1] =	wrdreg $0xFFFFFFFF  }
0xad: {  	[dreg:$0x0] =	wrdreg $0x60  }
0xae: {  	[dreg:$0x2] =	wrdreg s24  }
0xaf: {  	[dreg:$0x3] =	wrdreg $0xBC000  }
0xb0: {  	[dreg:$0x4] =	wrdreg $0x9  }
0xb1: {  	_ =	task.clear_ibuf [dreg:s6], $0x5FFFF;
	_ =	strace $0x90000049  }
0xb2: {  	s29 =	simm.s32 $0x9;
	_ =	strace $0x8000004B  }
0xb3: {  	_ =	swait.ge [sflag:s29], $0x1  }
0xb4: {  	[sflag:s29] =	ssyncadd.s32 $0xFFFFFFFF  }
0xb5: {  	_ =	strace $0x9000004B  }
0xb6: {  	_ =	sfence  }
0xb7: {  	s30 =	sld [smem:$0x0];
	_ =	sdelay $0x2  }
0xb8: {  	s31 =	sshll.u32 s1, $0xD;
	s1 =	sshrl.u32 s1, $0x2  }
0xb9: {  	s3 =	sand.u32 $0x4000, s31;
	s1 =	sadd.s32 s1, s30  }
0xba: {  	s0 =	sor.u32 s3, s0;
	s1 =	sshll.u32 s1, $0x11  }
0xbb: {  	s0 =	sor.u32 s1, s0  }
0xbc: {  	s0 =	sadd.s32 $0x8F2B, s0  }
0xbd: {  	[sflag:s0] =	ssyncadd.remote.s32 $0x1  }
0xbe: {  	_ =	sfence.sel $0xFFFF  }
0xbf: {  	[dreg:$0x0] =	wrdreg $0xFFFFFFFF;
	(pc) =	sbr.abs _section_cstart, $3  }
0xc0: {  	[dreg:$0x1] =	wrdreg $0xFFFFFFFF  }
0xc1: {  	_ =	task.clear_ibuf [dreg:s6], $0x2FFFF;
	_ =	strace $0x9FFFFFFF  }
0xc2: {  	(tm) =	ssettm $0x7FFFFFFF  }
0xc3: {  	_ =	shalt  }
tec
execute0_lowered:
.L_overlay_start_1:
0x0: {  	(tag) =	ssettag $0x1  }
0x1: {  	s5 =	rddreg [dreg:$0x0]  }
0x2: {  	s1 =	rddreg [dreg:$0x1]  }
0x3: {  	s0 =	rddreg [dreg:$0x2]  }
0x4: {  	s3 =	simm.s32 $0x0;
	s2 =	srdreg.scid;
	s15 =	simm.s32 $0x180  }
0x5: {  	s16 =	simm.s32 $0x170;
	s17 =	simm.s32 $0x1;
	s18 =	simm.s32 $0x300  }
0x6: {  	s19 =	simm.s32 $0x380;
	s20 =	simm.s32 $0x40;
	s6 =	sand.u32 $0x1, s2  }
0x7: {  	s21 =	simm.s32 $0x0;
	s2 =	stileid.u32;
	s7 =	smul.u32 $0x140000, s6  }
0x8: {  	[smem:$0x7FF] =	sst s3;
	s4 =	sadd.s32 $0x14C00, s5;
	s8 =	smul.u32 $0x14000, s2  }
0x9: {  	s12 =	sadd.s32 $0xAE00, s5;
	s11 =	sadd.s32 $0x1000, s5;
	s26 =	smul.u32 $0x50000, s2  }
0xa: {  	_ =	strace $0x8000004A;
	s9 =	sshll.u32 s2, $0x1;
	s14 =	smul.u32 $0x4E20, s2  }
0xb: {  	s10 =	ssub.s32 $0x2, s6;
	s30 =	smul.u32 $0x2710, s6;
	s25 =	sor.u32 s6, s9  }
0xc: {  	s28 =	sshrl.u32 s10, $0x1;
	s7 =	sadd.s32 s8, s7;
	s8 =	smul.u32 $0x2710, s25  }
0xd: {  	s29 =	sshrl.u32 s26, $0x2;
	s10 =	ssub.s32 s10, s28;
	s14 =	sadd.s32 s30, s14  }
0xe: {  	s7 =	sshrl.u32 s7, $0x3;
	s31 =	sshrl.u32 s14, $0x3;
	s10 =	smax.u32 s10, $0x1  }
0xf: {  	s13 =	sadd.s32 s7, s5;
	s8 =	sshrl.u32 s8, $0x3;
	s5 =	sadd.s32 s29, s1  }
0x10: {  	s14 =	simm.s32 $0x2;
	s8 =	sadd.s32 $0x4DA, s8;
	s6 =	sadd.s32 $0xA000, s5  }
0x11: {  	s9 =	sadd.s32 $0x3BE00, s13;
	s13 =	simm.s32 $0x400;
	s7 =	sadd.s32 s12, s8  }
0x12: {  	v0 =	vimm.f32 $0.0e+00;
	s8 =	sadd.s32 s11, s8;
	s11 =	sadd.s32 s31, s11;
	s12 =	sadd.s32 s31, s12  }
.LBB2_1:
0x13: {  	s22 =	simm.s32 $0x0;
	s23 =	simm.s32 $0x200  }
.LBB2_2:
0x14: {  	p0 =	sne.s32 s23, $0x27E00;
	[tilespmem:s22+$0x470] =	vst v0  }
0x15: {  	[tilespmem:s22+$0x400] =	vst v0  }
0x16: {  	[tilespmem:s22+$0x410] =	vst v0  }
.Ltmp0:
0x17: {  	[tilespmem:s22+$0x420] =	vst v0;
	(pc) =	sbr.rel @p0 .LBB2_2-.Ltmp0, $4  }
0x18: {  	[tilespmem:s22+$0x430] =	vst v0  }
0x19: {  	[tilespmem:s22+$0x440] =	vst v0  }
0x1a: {  	[tilespmem:s22+$0x450] =	vst v0  }
0x1b: {  	[tilespmem:s22+$0x460] =	vst v0;
	s22 =	sshra.s32 s23, $0x2;
	s23 =	sadd.s32 $0x200, s23  }
0x1c: {  	[tilespmem:s22+$0x470] =	vst v0  }
0x1d: {  	[tilespmem:s22+$0x400] =	vst v0  }
0x1e: {  	[tilespmem:s22+$0x410] =	vst v0  }
0x1f: {  	[tilespmem:s22+$0x420] =	vst v0  }
0x20: {  	[tilespmem:s22+$0x430] =	vst v0  }
0x21: {  	[tilespmem:s22+$0x440] =	vst v0  }
0x22: {  	[tilespmem:s22+$0x450] =	vst v0  }
0x23: {  	[tilespmem:s22+$0x460] =	vst v0  }
0x24: {  	[spmem:s5] =	stream.linear.scatter [tilespmem:s13], [sflag:$0x2], $0xA000, $0x38;
	[tilespmem:$0x1FC00] =	vst v63  }
0x25: {  	_ =	swait.ge [sflag:s14], $0xA000  }
0x26: {  	[sflag:s14] =	ssyncset.done $0x0  }
0x27: {  	[sflag:s14] =	ssyncadd.s32 $0xFFFF6000  }
0x28: {  	[spmem:s6] =	stream.linear.scatter [tilespmem:s13], [sflag:$0x2], $0xA000, $0x38;
	[tilespmem:$0x1FC00] =	vst v63  }
0x29: {  	_ =	swait.ge [sflag:s14], $0xA000  }
0x2a: {  	[sflag:s14] =	ssyncset.done $0x0  }
0x2b: {  	[sflag:s14] =	ssyncadd.s32 $0xFFFF6000  }
0x2c: {  	s30 =	sadd.s32 $0x0, s12;
	[bflag:$0x0] =	sbarrier.arrive $0xFFFF  }
0x2d: {  	[tilespmem:s3], [sflag:$0x2] =	stream.linear.gather [hbm4b:s30+s3], $0x170, $0x38;
	[tilespmem:$0x1FC00] =	vst v63  }
0x2e: {  	_ =	swait.ge [sflag:s14], $0x170  }
0x2f: {  	[sflag:s14] =	ssyncset.done $0x0  }
0x30: {  	s31 =	sadd.s32 $0x0, s11;
	[sflag:s14] =	ssyncadd.s32 $0xFFFFFE90  }
0x31: {  	[tilespmem:s15], [sflag:$0x2] =	stream.linear.gather [hbm4b:s31+s3], $0x170, $0x38;
	[tilespmem:$0x1FC00] =	vst v63  }
0x32: {  	_ =	swait.ge [sflag:s14], $0x170  }
0x33: {  	[sflag:s14] =	ssyncset.done $0x0  }
0x34: {  	[sflag:s14] =	ssyncadd.s32 $0xFFFFFE90  }
0x35: {  	[tilespmem:s13], [sflag:$0x1] =	stream.indirect.gather [hbm4b:s4+s16], $0x80, s3, s16, $0xb8;
	[tilespmem:$0x1FC00] =	vst v63  }
0x36: {  	_ =	swait.ge [sflag:s17], $0xB800  }
0x37: {  	[sflag:s17] =	ssyncset.done $0x0  }
0x38: {  	[sflag:s17] =	ssyncadd.s32 $0xFFFF4800  }
0x39: {  	[spmem:s1] =	stream.indirect.scatter.add.f32 [tilespmem:s13], [sflag:$0x2], $0x80, s15, s16, $0xb8;
	[tilespmem:$0x1FC00] =	vst v63  }
0x3a: {  	_ =	swait.ge [sflag:s14], $0xB800  }
0x3b: {  	s22 =	simm.s32 $0x2E;
	s23 =	simm.s32 $0x5C;
	[sflag:s14] =	ssyncset.done $0x0  }
.LBB2_4:
0x3c: {  	s24 =	sadd.s32 s22, s12  }
0x3d: {  	[sflag:s14] =	ssyncadd.s32 $0xFFFF4800;
	s25 =	smov.u32 s23;
	s26 =	sadd.s32 $0x2E, s23  }
0x3e: {  	[tilespmem:s3], [sflag:$0x2] =	stream.linear.gather [hbm4b:s24+s3], $0x170, $0x38;
	[tilespmem:$0x1FC00] =	vst v63  }
0x3f: {  	p0 =	sne.s32 s23, $0x4AC;
	_ =	swait.ge [sflag:s14], $0x170  }
0x40: {  	[sflag:s14] =	ssyncset.done $0x0  }
0x41: {  	s23 =	sadd.s32 s22, s11;
	s22 =	smov.u32 s25;
	[sflag:s14] =	ssyncadd.s32 $0xFFFFFE90  }
0x42: {  	[tilespmem:s15], [sflag:$0x2] =	stream.linear.gather [hbm4b:s23+s3], $0x170, $0x38;
	[tilespmem:$0x1FC00] =	vst v63  }
0x43: {  	_ =	swait.ge [sflag:s14], $0x170  }
0x44: {  	[sflag:s14] =	ssyncset.done $0x0  }
0x45: {  	[sflag:s14] =	ssyncadd.s32 $0xFFFFFE90  }
0x46: {  	[tilespmem:s13], [sflag:$0x1] =	stream.indirect.gather [hbm4b:s4+s16], $0x80, s3, s16, $0xb8;
	[tilespmem:$0x1FC00] =	vst v63  }
0x47: {  	_ =	swait.ge [sflag:s17], $0xB800  }
.Ltmp1:
0x48: {  	[sflag:s17] =	ssyncset.done $0x0;
	(pc) =	sbr.rel @p0 .LBB2_4-.Ltmp1, $4  }
0x49: {  	[sflag:s17] =	ssyncadd.s32 $0xFFFF4800  }
0x4a: {  	[spmem:s1] =	stream.indirect.scatter.add.f32 [tilespmem:s13], [sflag:$0x2], $0x80, s15, s16, $0xb8;
	[tilespmem:$0x1FC00] =	vst v63  }
0x4b: {  	_ =	swait.ge [sflag:s14], $0xB800  }
0x4c: {  	s23 =	smov.u32 s26;
	[sflag:s14] =	ssyncset.done $0x0  }
0x4d: {  	s23 =	sadd.s32 s22, s12;
	[sflag:s14] =	ssyncadd.s32 $0xFFFF4800  }
0x4e: {  	[tilespmem:s3], [sflag:$0x2] =	stream.linear.gather [hbm4b:s23+s3], $0x170, $0x38;
	[tilespmem:$0x1FC00] =	vst v63  }
0x4f: {  	_ =	swait.ge [sflag:s14], $0x170  }
0x50: {  	[sflag:s14] =	ssyncset.done $0x0  }
0x51: {  	s29 =	sadd.s32 s22, s11;
	[sflag:s14] =	ssyncadd.s32 $0xFFFFFE90  }
0x52: {  	[tilespmem:s15], [sflag:$0x2] =	stream.linear.gather [hbm4b:s29+s3], $0x170, $0x38;
	[tilespmem:$0x1FC00] =	vst v63  }
0x53: {  	_ =	swait.ge [sflag:s14], $0x170  }
0x54: {  	[sflag:s14] =	ssyncset.done $0x0  }
0x55: {  	[sflag:s14] =	ssyncadd.s32 $0xFFFFFE90  }
0x56: {  	[tilespmem:s13], [sflag:$0x1] =	stream.indirect.gather [hbm4b:s4+s16], $0x80, s3, s16, $0xb8;
	[tilespmem:$0x1FC00] =	vst v63  }
0x57: {  	_ =	swait.ge [sflag:s17], $0xB800  }
0x58: {  	[sflag:s17] =	ssyncset.done $0x0  }
0x59: {  	[sflag:s17] =	ssyncadd.s32 $0xFFFF4800  }
0x5a: {  	[spmem:s1] =	stream.indirect.scatter.add.f32 [tilespmem:s13], [sflag:$0x2], $0x80, s15, s16, $0xb8;
	[tilespmem:$0x1FC00] =	vst v63  }
0x5b: {  	_ =	swait.ge [sflag:s14], $0xB800  }
0x5c: {  	[sflag:s14] =	ssyncset.done $0x0  }
0x5d: {  	[sflag:s14] =	ssyncadd.s32 $0xFFFF4800  }
0x5e: {  	[tilespmem:s18], [sflag:$0x2] =	stream.linear.gather [hbm4b:s7+s3], $0x40, $0x38;
	[tilespmem:$0x1FC00] =	vst v63  }
0x5f: {  	_ =	swait.ge [sflag:s14], $0x40  }
0x60: {  	[sflag:s14] =	ssyncset.done $0x0  }
0x61: {  	[sflag:s14] =	ssyncadd.s32 $0xFFFFFFC0  }
0x62: {  	[tilespmem:s19], [sflag:$0x2] =	stream.linear.gather [hbm4b:s8+s3], $0x40, $0x38;
	[tilespmem:$0x1FC00] =	vst v63  }
0x63: {  	_ =	swait.ge [sflag:s14], $0x40  }
0x64: {  	[sflag:s14] =	ssyncset.done $0x0  }
0x65: {  	[sflag:s14] =	ssyncadd.s32 $0xFFFFFFC0  }
0x66: {  	[tilespmem:s13], [sflag:$0x1] =	stream.indirect.gather [hbm4b:s4+s20], $0x80, s18, s20, $0xb8;
	[tilespmem:$0x1FC00] =	vst v63  }
0x67: {  	_ =	swait.ge [sflag:s17], $0x2000  }
0x68: {  	[sflag:s17] =	ssyncset.done $0x0  }
0x69: {  	[sflag:s17] =	ssyncadd.s32 $0xFFFFE000  }
0x6a: {  	[spmem:s1] =	stream.indirect.scatter.add.f32 [tilespmem:s13], [sflag:$0x2], $0x80, s19, s20, $0xb8;
	[tilespmem:$0x1FC00] =	vst v63  }
0x6b: {  	_ =	swait.ge [sflag:s14], $0x2000  }
0x6c: {  	s30 =	sshll.u32 s2, $0x6;
	s21 =	sadd.s32 $0x1, s21;
	[sflag:s14] =	ssyncset.done $0x0  }
0x6d: {  	s31 =	sshrl.u32 s5, $0x3;
	p0 =	sne.s32 s21, s10;
	[sflag:s14] =	ssyncadd.s32 $0xFFFFE000  }
.Ltmp2:
0x6e: {  	s22 =	sor.u32 $0x1C02, s30;
	[bflag:$0x0] =	sbarrier.arrive $0xFFFF;
	(pc) =	sbr.rel @p0 .LBB2_1-.Ltmp2, $4  }
0x6f: {  	[hbm:s9], [sflag:s22] =	dma.local [spmem:s31], $0x2800  }
0x70: {  	_ =	swait.ge [sflag:s14], $0x2800  }
0x71: {  	[sflag:s14] =	ssyncset.done $0x0  }
0x72: {  	[sflag:s14] =	ssyncadd.s32 $0xFFFFD800  }
0x73: {  	_ =	sfence.sel $0x180000  }
0x74: {  	[bflag:$0x0] =	sbarrier.arrive $0xFFFF  }
0x75: {  	p0 =	sne.s32 s2, $0x0;
	_ =	strace $0x9000004A  }
0x76: {  	s0 =	sadd.s32 @!p0 $0x100000, s0;
	[bflag:$0x2] =	sbarrier.arrive $0xFFFF  }
0x77: {  	[sflag:s0] =	ssyncadd.tile.s32 @!p0 $0x1;
	_ =	shalt  }
.Lfunc_end2:
_tile_overlayer_lowered:
.L_overlay_start_2:
0x78: {  	(tag) =	ssettag $0x2  }
0x79: {  	s0 =	rddreg [dreg:$0x0];
	s2 =	stileid.u32  }
0x7a: {  	s1 =	rddreg [dreg:$0x1];
	p0 =	sne.s32 s2, $0x0  }
0x7b: {  	s3 =	rddreg [dreg:$0x2];
	[bflag:$0x3] =	sbarrier.arrive $0xFFFF;
	s2 =	simm.s32 @!p0 $0x1C02  }
0x7c: {  	[timem:s3], [sflag:s2] =	dma.local @!p0 [hbm:s0], s1  }
0x7d: {  	s0 =	simm.s32 @!p0 $0x2  }
0x7e: {  	_ =	swait.ge @!p0 [sflag:s0], s1  }
0x7f: {  	s1 =	ssub.s32 @!p0 $0x0, s1;
	[sflag:s0] =	ssyncset.done @!p0 $0x0  }
0x80: {  	[sflag:s0] =	ssyncadd.s32 @!p0 s1  }
0x81: {  	[bflag:$0x3] =	sbarrier.arrive $0xFFFF  }
0x82: {  	_ =	shalt  }

</sc_bundles>
